<compile_context>
chip_gen: v7x
topology: tpu7x:2x2x1
jax: 0.10.2.dev20260603
libtpu: 0.0.44.dev20260713+nightly
codegen_flags: <defaults>
</compile_context>

<pallas_src>
import functools

import jax
import jax.numpy as jnp
from jax import lax
from jax.experimental import pallas as pl
from jax.experimental.pallas import tpu as pltpu
from jax.experimental.pallas import tpu_sc as plsc

HIDDIM = 128
N_NODES = 10000
N_EDGES = 320000
N_TUPLES = 320000

NC = 2
NS = 16
NW = NC * NS

PA = N_EDGES // NW
C = 128
NFULL = PA // C
TAILA = PA - NFULL * C

PX = 312
CX = 104
XNF = PX // CX
TAILX = N_NODES - NW * PX

K = 6
G = 4

_MESH = plsc.VectorSubcoreMesh(
    core_axis_name="c", subcore_axis_name="s", num_cores=NC, num_subcores=NS
)


def _body(*refs):
  (x_idx, a_idx, x_tab, a_tab,
   out_x, out_a,
   idx_v, idx_x, xtail, xtab_v, atab_v) = refs[:11]
  bufs = refs[11:11 + K]
  gsems = refs[11 + K:11 + 2 * K]
  osems = refs[11 + 2 * K:11 + 3 * K]
  sem_xg, sem_xo = refs[11 + 3 * K:]

  wid = lax.axis_index("s") * NC + lax.axis_index("c")
  is_last = wid == NW - 1

  @pl.when(lax.axis_index("s") == 0)
  def _():
    pltpu.sync_copy(x_tab, xtab_v)
    pltpu.sync_copy(a_tab, atab_v)
  plsc.subcore_barrier()

  pending = {}

  def o_drain(j):
    size = pending.pop(j, None)
    if size is not None:
      pltpu.make_async_copy(bufs[j].at[pl.ds(0, size)],
                            out_x.at[pl.ds(0, size)], osems[j]).wait()

  xbase = wid * PX
  pltpu.sync_copy(x_idx.at[pl.ds(xbase, PX)], idx_v.at[pl.ds(0, PX)])
  for c in range(XNF):
    pltpu.async_copy(xtab_v.at[idx_v.at[pl.ds(c * CX, CX)]],
                     bufs[c].at[pl.ds(0, CX)], gsems[c])
  @pl.when(is_last)
  def _():
    pltpu.sync_copy(x_idx.at[pl.ds(NW * PX, TAILX)], idx_x)
    pltpu.async_copy(xtab_v.at[idx_x], xtail, sem_xg)

  for c in range(XNF):
    pltpu.make_async_copy(xtab_v.at[idx_v.at[pl.ds(0, CX)]],
                          bufs[c].at[pl.ds(0, CX)], gsems[c]).wait()
    pltpu.async_copy(bufs[c].at[pl.ds(0, CX)],
                     out_x.at[pl.ds(xbase + c * CX, CX)], osems[c])
    pending[c] = CX

  @pl.when(is_last)
  def _():
    pltpu.make_async_copy(xtab_v.at[idx_x], xtail, sem_xg).wait()
    pltpu.async_copy(xtail, out_x.at[pl.ds(NW * PX, TAILX)], sem_xo)

  def big_stream(tab, idx_hbm, out_hbm):
    base = wid * PA
    pltpu.sync_copy(idx_hbm.at[pl.ds(base, PA)], idx_v)

    def g_start(off, j, size=C):
      pltpu.async_copy(tab.at[idx_v.at[pl.ds(off, size)]],
                       bufs[j].at[pl.ds(0, size)], gsems[j])

    def g_wait(j, size=C):
      pltpu.make_async_copy(tab.at[idx_v.at[pl.ds(0, size)]],
                            bufs[j].at[pl.ds(0, size)], gsems[j]).wait()

    def o_start(off, j, size=C):
      pltpu.async_copy(bufs[j].at[pl.ds(0, size)],
                       out_hbm.at[pl.ds(base + off, size)], osems[j])

    def o_wait(j, size=C):
      pltpu.make_async_copy(bufs[j].at[pl.ds(0, size)],
                            out_hbm.at[pl.ds(0, size)], osems[j]).wait()

    for c in range(G):
      o_drain(c % K)
      g_start(c * C, c % K)

    for c in range(2):
      cp = c + G
      o_drain(cp % K)
      g_start(cp * C, cp % K)
      g_wait(c % K)
      o_start(c * C, c % K)
      pending[c % K] = C

    def group(gi, carry):
      c0 = 2 + 6 * gi
      for j in range(6):
        jb_c = (2 + j) % K
        jb_p = (2 + j + G) % K
        o_wait(jb_p)
        g_start((c0 + j + G) * C, jb_p)
        g_wait(jb_c)
        o_start((c0 + j) * C, jb_c)
      return carry

    lax.fori_loop(0, (NFULL - G - 2) // K, group, 0)
    pending.clear()
    pending[72 % K] = C
    pending[73 % K] = C

    for c in range(NFULL - G, NFULL):
      if c == NFULL - G:
        o_drain(NFULL % K)
        g_start(NFULL * C, NFULL % K, TAILA)
      g_wait(c % K)
      o_start(c * C, c % K)
      pending[c % K] = C
    g_wait(NFULL % K, TAILA)
    o_start(NFULL * C, NFULL % K, TAILA)
    pending[NFULL % K] = TAILA

  big_stream(atab_v, a_idx, out_a)

  for j in list(pending):
    o_drain(j)

  @pl.when(is_last)
  def _():
    pltpu.make_async_copy(xtail, out_x.at[pl.ds(NW * PX, TAILX)],
                          sem_xo).wait()


_sc_gather = functools.partial(
    pl.kernel,
    out_type=(
        jax.ShapeDtypeStruct((N_NODES, HIDDIM), jnp.float32),
        jax.ShapeDtypeStruct((N_EDGES, HIDDIM), jnp.float32),
    ),
    mesh=_MESH,
    scratch_types=(
        [
            pltpu.VMEM((PA,), jnp.int32),
            pltpu.VMEM((TAILX,), jnp.int32),
            pltpu.VMEM((TAILX, HIDDIM), jnp.float32),
            pltpu.VMEM_SHARED((32, HIDDIM), jnp.float32),
            pltpu.VMEM_SHARED((16, HIDDIM), jnp.float32),
        ]
        + [pltpu.VMEM((C, HIDDIM), jnp.float32)] * K
        + [pltpu.SemaphoreType.DMA] * (2 * K)
        + [pltpu.SemaphoreType.DMA] * 2
    ),
)(_body)


TCB = 16000


def _tc_body(idx_ref, tab_ref, out_ref):
  idx = idx_ref[0, 0, :]
  oh = idx[:, None] == lax.broadcasted_iota(jnp.int32, (TCB, 16), 1)
  out_ref[...] = jnp.dot(oh.astype(jnp.float32), tab_ref[...],
                         preferred_element_type=jnp.float32)


_tc_gather = pl.pallas_call(
    _tc_body,
    grid=(N_TUPLES // TCB,),
    in_specs=[
        pl.BlockSpec((1, 1, TCB), lambda i: (i, 0, 0)),
        pl.BlockSpec((16, HIDDIM), lambda i: (0, 0)),
    ],
    out_specs=pl.BlockSpec((TCB, HIDDIM), lambda i: (i, 0)),
    out_shape=jax.ShapeDtypeStruct((N_TUPLES, HIDDIM), jnp.float32),
)


@jax.jit
def kernel(x, A_values, X_values, x_table, ea_table, tuple_table):
  t_emb = _tc_gather(
      X_values.astype(jnp.int32).reshape(N_TUPLES // TCB, 1, TCB),
      tuple_table)
  x_emb, a_emb = _sc_gather(
      x.astype(jnp.int32),
      A_values.astype(jnp.int32),
      x_table, ea_table)
  return x_emb, a_emb, t_emb

# --- scband reference (transcript-rebuilt; emitter-appended) ---
"""Pipeline reference for scband-input-encoder-sp-326417515068 (READ-ONLY COPY).

The authoritative reference and input builder live on the scoring server;
editing this copy changes nothing except your own understanding.
"""

import jax, jax.numpy as jnp
import numpy as np

HIDDIM = 128
N_NODES = 10000
N_EDGES = 320000
N_TUPLES = 320000


def setup_inputs(seed: int = 0) -> dict:
    key = jax.random.key(seed)
    k1, k2, k3, k4, k5, k6 = jax.random.split(key, 6)
    x = jax.random.randint(k1, (N_NODES,), 0, 32, dtype=jnp.int64 if jax.config.read('jax_enable_x64') else jnp.int32)
    A_values = jax.random.randint(k2, (N_EDGES,), 0, 16, dtype=jnp.int32)
    X_values = jax.random.randint(k3, (N_TUPLES,), 0, 16, dtype=jnp.int32)
    # learned parameters per init_kwargs: nn.Embedding(32, hiddim), nn.Embedding(16, hiddim) x2
    x_table = jax.random.normal(k4, (32, HIDDIM), dtype=jnp.float32)
    ea_table = jax.random.normal(k5, (16, HIDDIM), dtype=jnp.float32)
    tuple_table = jax.random.normal(k6, (16, HIDDIM), dtype=jnp.float32)
    return {
        'x': x,
        'A_values': A_values,
        'X_values': X_values,
        'x_table': x_table,
        'ea_table': ea_table,
        'tuple_table': tuple_table,
    }


def reference(x, A_values, X_values, x_table, ea_table, tuple_table):
    # datadict['x'] = self.x_encoder(datadict['x'].flatten())
    x_emb = jnp.take(x_table, x.reshape(-1), axis=0)
    # datadict['A'] = datadict['A'].tuplewiseapply(self.ea_encoder)
    # tuplewiseapply applies the embedding to the nonzero (tuple) values of the sparse tensor
    A_emb = jnp.take(ea_table, A_values, axis=0)
    # datadict['X'] = datadict['X'].tuplewiseapply(self.tuplefeat_encoder)
    X_emb = jnp.take(tuple_table, X_values, axis=0)
    return (x_emb, A_emb, X_emb)

if __name__ == "__main__":
    import jax
    _d = setup_inputs()
    print(jax.jit(kernel)(*tuple(_d.values())))

</pallas_src>

<mosaic_0001>
#map = affine_map<(d0, d1) -> (0)>
#map1 = affine_map<(d0, d1) -> (0, 0)>
module attributes {stable_mosaic.version = 14 : i64} {
  func.func @_body(%arg0: i32, %arg1: i32, %arg2: memref<10000xi32, #tpu.memory_space<hbm>>, %arg3: memref<320000xi32, #tpu.memory_space<hbm>>, %arg4: memref<32x128xf32, #tpu.memory_space<hbm>>, %arg5: memref<16x128xf32, #tpu.memory_space<hbm>>, %arg6: memref<10000x128xf32, #tpu.memory_space<hbm>>, %arg7: memref<320000x128xf32, #tpu.memory_space<hbm>>, %arg8: memref<10000xi32, #tpu.memory_space<vmem>>, %arg9: memref<16xi32, #tpu.memory_space<vmem>>, %arg10: memref<16x128xf32, #tpu.memory_space<vmem>>, %arg11: memref<32x128xf32, #tpu.memory_space<vmem_shared>>, %arg12: memref<16x128xf32, #tpu.memory_space<vmem_shared>>, %arg13: memref<128x128xf32, #tpu.memory_space<vmem>>, %arg14: memref<128x128xf32, #tpu.memory_space<vmem>>, %arg15: memref<128x128xf32, #tpu.memory_space<vmem>>, %arg16: memref<128x128xf32, #tpu.memory_space<vmem>>, %arg17: memref<128x128xf32, #tpu.memory_space<vmem>>, %arg18: memref<128x128xf32, #tpu.memory_space<vmem>>, %arg19: memref<!tpu.dma_semaphore, #tpu.memory_space<semaphore_mem>>, %arg20: memref<!tpu.dma_semaphore, #tpu.memory_space<semaphore_mem>>, %arg21: memref<!tpu.dma_semaphore, #tpu.memory_space<semaphore_mem>>, %arg22: memref<!tpu.dma_semaphore, #tpu.memory_space<semaphore_mem>>, %arg23: memref<!tpu.dma_semaphore, #tpu.memory_space<semaphore_mem>>, %arg24: memref<!tpu.dma_semaphore, #tpu.memory_space<semaphore_mem>>, %arg25: memref<!tpu.dma_semaphore, #tpu.memory_space<semaphore_mem>>, %arg26: memref<!tpu.dma_semaphore, #tpu.memory_space<semaphore_mem>>, %arg27: memref<!tpu.dma_semaphore, #tpu.memory_space<semaphore_mem>>, %arg28: memref<!tpu.dma_semaphore, #tpu.memory_space<semaphore_mem>>, %arg29: memref<!tpu.dma_semaphore, #tpu.memory_space<semaphore_mem>>, %arg30: memref<!tpu.dma_semaphore, #tpu.memory_space<semaphore_mem>>, %arg31: memref<!tpu.dma_semaphore, #tpu.memory_space<semaphore_mem>>, %arg32: memref<!tpu.dma_semaphore, #tpu.memory_space<semaphore_mem>>) attributes {dimension_semantics = [#tpu.dimension_semantics<core_parallel>, #tpu.dimension_semantics<subcore_parallel>], iteration_bounds = array<i64: 2, 16>, scalar_prefetch = 0 : i64, scratch_operands = 25 : i64, tpu.core_type = #tpu.core_type<sc_vector_subcore>, window_params = [{transform_indices = #map}, {transform_indices = #map}, {transform_indices = #map1}, {transform_indices = #map1}, {transform_indices = #map1}, {transform_indices = #map1}]} {
    %mul3A = arith.constant 2 : i32
    %mul3A_0 = arith.muli %arg1, %mul3A : i32
    %add3A = arith.addi %mul3A_0, %arg0 : i32
    %eq3A = arith.constant 31 : i32
    %eq3A_1 = arith.cmpi eq, %add3A, %eq3A : i32
    %eq3A_2 = arith.constant 0 : i32
    %eq3A_3 = arith.cmpi eq, %arg1, %eq3A_2 : i32
    %convert_element_type3A = arith.extui %eq3A_3 : i1 to i32
    %cond3A = arith.constant 0 : i32
    %cond3A_4 = arith.cmpi ne, %convert_element_type3A, %cond3A : i32
    scf.if %cond3A_4 {
      "tpu.region"() ({
        %run_scoped3A = tpu.sem_alloc : memref<!tpu.dma_semaphore, #tpu.memory_space<semaphore_mem>>
        tpu.enqueue_dma source(%arg4 : memref<32x128xf32, #tpu.memory_space<hbm>>) target(%arg11 : memref<32x128xf32, #tpu.memory_space<vmem_shared>>) target_semaphore(%run_scoped3A : memref<!tpu.dma_semaphore, #tpu.memory_space<semaphore_mem>>)
        tpu.wait_dma2 semaphore(%run_scoped3A : memref<!tpu.dma_semaphore, #tpu.memory_space<semaphore_mem>>) src(%arg4 : memref<32x128xf32, #tpu.memory_space<hbm>>) dst(%arg11 : memref<32x128xf32, #tpu.memory_space<vmem_shared>>)
        tpu.yield
      }) : () -> ()
      "tpu.region"() ({
        %run_scoped3A = tpu.sem_alloc : memref<!tpu.dma_semaphore, #tpu.memory_space<semaphore_mem>>
        tpu.enqueue_dma source(%arg5 : memref<16x128xf32, #tpu.memory_space<hbm>>) target(%arg12 : memref<16x128xf32, #tpu.memory_space<vmem_shared>>) target_semaphore(%run_scoped3A : memref<!tpu.dma_semaphore, #tpu.memory_space<semaphore_mem>>)
        tpu.wait_dma2 semaphore(%run_scoped3A : memref<!tpu.dma_semaphore, #tpu.memory_space<semaphore_mem>>) src(%arg5 : memref<16x128xf32, #tpu.memory_space<hbm>>) dst(%arg12 : memref<16x128xf32, #tpu.memory_space<vmem_shared>>)
        tpu.yield
      }) : () -> ()
    } else {
    }
    %barrier3A = arith.constant 0 : index
    tpu.barrier barrier_id(%barrier3A)
    %mul3A_5 = arith.constant 312 : i32
    %mul3A_6 = arith.muli %add3A, %mul3A_5 : i32
    "tpu.region"() ({
      %run_scoped3A = tpu.sem_alloc : memref<!tpu.dma_semaphore, #tpu.memory_space<semaphore_mem>>
      %dma_start3A_421 = arith.constant 0 : i32
      %dma_start3A_422 = tpu.memref_slice %arg8[%dma_start3A_421] : memref<10000xi32, #tpu.memory_space<vmem>> -> memref<312xi32, #tpu.memory_space<vmem>>
      %dma_start3A_423 = tpu.memref_slice %arg2[%mul3A_6] : memref<10000xi32, #tpu.memory_space<hbm>> -> memref<312xi32, #tpu.memory_space<hbm>>
      %dma_start3A_424 = arith.constant 0 : i32
      %dma_start3A_425 = tpu.memref_slice %arg8[%dma_start3A_424] : memref<10000xi32, #tpu.memory_space<vmem>> -> memref<312xi32, #tpu.memory_space<vmem>>
      %dma_start3A_426 = tpu.memref_slice %arg2[%mul3A_6] : memref<10000xi32, #tpu.memory_space<hbm>> -> memref<312xi32, #tpu.memory_space<hbm>>
      tpu.enqueue_dma source(%dma_start3A_426 : memref<312xi32, #tpu.memory_space<hbm>>) target(%dma_start3A_425 : memref<312xi32, #tpu.memory_space<vmem>>) target_semaphore(%run_scoped3A : memref<!tpu.dma_semaphore, #tpu.memory_space<semaphore_mem>>)
      %dma_wait3A_427 = arith.constant 0 : i32
      %dma_wait3A_428 = tpu.memref_slice %arg8[%dma_wait3A_427] : memref<10000xi32, #tpu.memory_space<vmem>> -> memref<312xi32, #tpu.memory_space<vmem>>
      %dma_wait3A_429 = tpu.memref_slice %arg2[%mul3A_6] : memref<10000xi32, #tpu.memory_space<hbm>> -> memref<312xi32, #tpu.memory_space<hbm>>
      %dma_wait3A_430 = arith.constant 0 : i32
      %dma_wait3A_431 = tpu.memref_slice %arg8[%dma_wait3A_430] : memref<10000xi32, #tpu.memory_space<vmem>> -> memref<312xi32, #tpu.memory_space<vmem>>
      %dma_wait3A_432 = tpu.memref_slice %arg2[%mul3A_6] : memref<10000xi32, #tpu.memory_space<hbm>> -> memref<312xi32, #tpu.memory_space<hbm>>
      tpu.wait_dma2 semaphore(%run_scoped3A : memref<!tpu.dma_semaphore, #tpu.memory_space<semaphore_mem>>) src(%dma_wait3A_432 : memref<312xi32, #tpu.memory_space<hbm>>) dst(%dma_wait3A_431 : memref<312xi32, #tpu.memory_space<vmem>>)
      tpu.yield
    }) : () -> ()
    %dma_start3A = arith.constant 0 : i32
    %dma_start3A_7 = arith.constant 0 : i32
    %dma_start3A_8 = tpu.memref_slice %arg13[%dma_start3A, %dma_start3A_7] : memref<128x128xf32, #tpu.memory_space<vmem>> -> memref<104x128xf32, #tpu.memory_space<vmem>>
    %dma_start3A_9 = arith.constant 0 : i32
    %dma_start3A_10 = tpu.memref_slice %arg8[%dma_start3A_9] : memref<10000xi32, #tpu.memory_space<vmem>> -> memref<104xi32, #tpu.memory_space<vmem>>
    %dma_start3A_11 = arith.constant 0 : i32
    %dma_start3A_12 = arith.constant 0 : i32
    %dma_start3A_13 = tpu.memref_slice %arg11[%dma_start3A_11, %dma_start3A_12] : memref<32x128xf32, #tpu.memory_space<vmem_shared>> -> memref<32x128xf32, #tpu.memory_space<vmem_shared>>
    tpu.enqueue_indirect_dma source(%dma_start3A_13 : memref<32x128xf32, #tpu.memory_space<vmem_shared>>) target(%dma_start3A_8 : memref<104x128xf32, #tpu.memory_space<vmem>>) offsets(%dma_start3A_10 : memref<104xi32, #tpu.memory_space<vmem>>) semaphore(%arg19 : memref<!tpu.dma_semaphore, #tpu.memory_space<semaphore_mem>>)
    %dma_start3A_14 = arith.constant 0 : i32
    %dma_start3A_15 = arith.constant 0 : i32
    %dma_start3A_16 = tpu.memref_slice %arg14[%dma_start3A_14, %dma_start3A_15] : memref<128x128xf32, #tpu.memory_space<vmem>> -> memref<104x128xf32, #tpu.memory_space<vmem>>
    %dma_start3A_17 = arith.constant 104 : i32
    %dma_start3A_18 = tpu.memref_slice %arg8[%dma_start3A_17] : memref<10000xi32, #tpu.memory_space<vmem>> -> memref<104xi32, #tpu.memory_space<vmem>>
    %dma_start3A_19 = arith.constant 0 : i32
    %dma_start3A_20 = arith.constant 0 : i32
    %dma_start3A_21 = tpu.memref_slice %arg11[%dma_start3A_19, %dma_start3A_20] : memref<32x128xf32, #tpu.memory_space<vmem_shared>> -> memref<32x128xf32, #tpu.memory_space<vmem_shared>>
    tpu.enqueue_indirect_dma source(%dma_start3A_21 : memref<32x128xf32, #tpu.memory_space<vmem_shared>>) target(%dma_start3A_16 : memref<104x128xf32, #tpu.memory_space<vmem>>) offsets(%dma_start3A_18 : memref<104xi32, #tpu.memory_space<vmem>>) semaphore(%arg20 : memref<!tpu.dma_semaphore, #tpu.memory_space<semaphore_mem>>)
    %dma_start3A_22 = arith.constant 0 : i32
    %dma_start3A_23 = arith.constant 0 : i32
    %dma_start3A_24 = tpu.memref_slice %arg15[%dma_start3A_22, %dma_start3A_23] : memref<128x128xf32, #tpu.memory_space<vmem>> -> memref<104x128xf32, #tpu.memory_space<vmem>>
    %dma_start3A_25 = arith.constant 208 : i32
    %dma_start3A_26 = tpu.memref_slice %arg8[%dma_start3A_25] : memref<10000xi32, #tpu.memory_space<vmem>> -> memref<104xi32, #tpu.memory_space<vmem>>
    %dma_start3A_27 = arith.constant 0 : i32
    %dma_start3A_28 = arith.constant 0 : i32
    %dma_start3A_29 = tpu.memref_slice %arg11[%dma_start3A_27, %dma_start3A_28] : memref<32x128xf32, #tpu.memory_space<vmem_shared>> -> memref<32x128xf32, #tpu.memory_space<vmem_shared>>
    tpu.enqueue_indirect_dma source(%dma_start3A_29 : memref<32x128xf32, #tpu.memory_space<vmem_shared>>) target(%dma_start3A_24 : memref<104x128xf32, #tpu.memory_space<vmem>>) offsets(%dma_start3A_26 : memref<104xi32, #tpu.memory_space<vmem>>) semaphore(%arg21 : memref<!tpu.dma_semaphore, #tpu.memory_space<semaphore_mem>>)
    %convert_element_type3A_30 = arith.extui %eq3A_1 : i1 to i32
    %cond3A_31 = arith.constant 0 : i32
    %cond3A_32 = arith.cmpi ne, %convert_element_type3A_30, %cond3A_31 : i32
    scf.if %cond3A_32 {
      "tpu.region"() ({
        %run_scoped3A = tpu.sem_alloc : memref<!tpu.dma_semaphore, #tpu.memory_space<semaphore_mem>>
        %dma_start3A_424 = arith.constant 9984 : i32
        %dma_start3A_425 = tpu.memref_slice %arg2[%dma_start3A_424] : memref<10000xi32, #tpu.memory_space<hbm>> -> memref<16xi32, #tpu.memory_space<hbm>>
        %dma_start3A_426 = arith.constant 9984 : i32
        %dma_start3A_427 = tpu.memref_slice %arg2[%dma_start3A_426] : memref<10000xi32, #tpu.memory_space<hbm>> -> memref<16xi32, #tpu.memory_space<hbm>>
        tpu.enqueue_dma source(%dma_start3A_427 : memref<16xi32, #tpu.memory_space<hbm>>) target(%arg9 : memref<16xi32, #tpu.memory_space<vmem>>) target_semaphore(%run_scoped3A : memref<!tpu.dma_semaphore, #tpu.memory_space<semaphore_mem>>)
        %dma_wait3A_428 = arith.constant 9984 : i32
        %dma_wait3A_429 = tpu.memref_slice %arg2[%dma_wait3A_428] : memref<10000xi32, #tpu.memory_space<hbm>> -> memref<16xi32, #tpu.memory_space<hbm>>
        %dma_wait3A_430 = arith.constant 9984 : i32
        %dma_wait3A_431 = tpu.memref_slice %arg2[%dma_wait3A_430] : memref<10000xi32, #tpu.memory_space<hbm>> -> memref<16xi32, #tpu.memory_space<hbm>>
        tpu.wait_dma2 semaphore(%run_scoped3A : memref<!tpu.dma_semaphore, #tpu.memory_space<semaphore_mem>>) src(%dma_wait3A_431 : memref<16xi32, #tpu.memory_space<hbm>>) dst(%arg9 : memref<16xi32, #tpu.memory_space<vmem>>)
        tpu.yield
      }) : () -> ()
      %dma_start3A_421 = arith.constant 0 : i32
      %dma_start3A_422 = arith.constant 0 : i32
      %dma_start3A_423 = tpu.memref_slice %arg11[%dma_start3A_421, %dma_start3A_422] : memref<32x128xf32, #tpu.memory_space<vmem_shared>> -> memref<32x128xf32, #tpu.memory_space<vmem_shared>>
      tpu.enqueue_indirect_dma source(%dma_start3A_423 : memref<32x128xf32, #tpu.memory_space<vmem_shared>>) target(%arg10 : memref<16x128xf32, #tpu.memory_space<vmem>>) offsets(%arg9 : memref<16xi32, #tpu.memory_space<vmem>>) semaphore(%arg31 : memref<!tpu.dma_semaphore, #tpu.memory_space<semaphore_mem>>)
    } else {
    }
    %dma_wait3A = arith.constant 0 : i32
    %dma_wait3A_33 = arith.constant 0 : i32
    %dma_wait3A_34 = tpu.memref_slice %arg13[%dma_wait3A, %dma_wait3A_33] : memref<128x128xf32, #tpu.memory_space<vmem>> -> memref<104x128xf32, #tpu.memory_space<vmem>>
    %dma_wait3A_35 = arith.constant 0 : i32
    %dma_wait3A_36 = tpu.memref_slice %arg8[%dma_wait3A_35] : memref<10000xi32, #tpu.memory_space<vmem>> -> memref<104xi32, #tpu.memory_space<vmem>>
    %dma_wait3A_37 = arith.constant 0 : i32
    %dma_wait3A_38 = arith.constant 0 : i32
    %dma_wait3A_39 = tpu.memref_slice %arg11[%dma_wait3A_37, %dma_wait3A_38] : memref<32x128xf32, #tpu.memory_space<vmem_shared>> -> memref<32x128xf32, #tpu.memory_space<vmem_shared>>
    tpu.wait_indirect_dma semaphore(%arg19 : memref<!tpu.dma_semaphore, #tpu.memory_space<semaphore_mem>>) src(%dma_wait3A_39 : memref<32x128xf32, #tpu.memory_space<vmem_shared>>) dst(%dma_wait3A_34 : memref<104x128xf32, #tpu.memory_space<vmem>>)
    %add3A_40 = arith.constant 0 : i32
    %add3A_41 = arith.addi %mul3A_6, %add3A_40 : i32
    %dma_start3A_42 = arith.constant 0 : i32
    %dma_start3A_43 = arith.constant 0 : i32
    %dma_start3A_44 = tpu.memref_slice %arg13[%dma_start3A_42, %dma_start3A_43] : memref<128x128xf32, #tpu.memory_space<vmem>> -> memref<104x128xf32, #tpu.memory_space<vmem>>
    %dma_start3A_45 = arith.constant 0 : i32
    %dma_start3A_46 = tpu.memref_slice %arg6[%add3A_41, %dma_start3A_45] : memref<10000x128xf32, #tpu.memory_space<hbm>> -> memref<104x128xf32, #tpu.memory_space<hbm>>
    %dma_start3A_47 = arith.constant 0 : i32
    %dma_start3A_48 = tpu.memref_slice %arg6[%add3A_41, %dma_start3A_47] : memref<10000x128xf32, #tpu.memory_space<hbm>> -> memref<104x128xf32, #tpu.memory_space<hbm>>
    %dma_start3A_49 = arith.constant 0 : i32
    %dma_start3A_50 = arith.constant 0 : i32
    %dma_start3A_51 = tpu.memref_slice %arg13[%dma_start3A_49, %dma_start3A_50] : memref<128x128xf32, #tpu.memory_space<vmem>> -> memref<104x128xf32, #tpu.memory_space<vmem>>
    tpu.enqueue_dma source(%dma_start3A_51 : memref<104x128xf32, #tpu.memory_space<vmem>>) target(%dma_start3A_48 : memref<104x128xf32, #tpu.memory_space<hbm>>) target_semaphore(%arg25 : memref<!tpu.dma_semaphore, #tpu.memory_space<semaphore_mem>>)
    %dma_wait3A_52 = arith.constant 0 : i32
    %dma_wait3A_53 = arith.constant 0 : i32
    %dma_wait3A_54 = tpu.memref_slice %arg14[%dma_wait3A_52, %dma_wait3A_53] : memref<128x128xf32, #tpu.memory_space<vmem>> -> memref<104x128xf32, #tpu.memory_space<vmem>>
    %dma_wait3A_55 = arith.constant 0 : i32
    %dma_wait3A_56 = tpu.memref_slice %arg8[%dma_wait3A_55] : memref<10000xi32, #tpu.memory_space<vmem>> -> memref<104xi32, #tpu.memory_space<vmem>>
    %dma_wait3A_57 = arith.constant 0 : i32
    %dma_wait3A_58 = arith.constant 0 : i32
    %dma_wait3A_59 = tpu.memref_slice %arg11[%dma_wait3A_57, %dma_wait3A_58] : memref<32x128xf32, #tpu.memory_space<vmem_shared>> -> memref<32x128xf32, #tpu.memory_space<vmem_shared>>
    tpu.wait_indirect_dma semaphore(%arg20 : memref<!tpu.dma_semaphore, #tpu.memory_space<semaphore_mem>>) src(%dma_wait3A_59 : memref<32x128xf32, #tpu.memory_space<vmem_shared>>) dst(%dma_wait3A_54 : memref<104x128xf32, #tpu.memory_space<vmem>>)
    %add3A_60 = arith.constant 104 : i32
    %add3A_61 = arith.addi %mul3A_6, %add3A_60 : i32
    %dma_start3A_62 = arith.constant 0 : i32
    %dma_start3A_63 = arith.constant 0 : i32
    %dma_start3A_64 = tpu.memref_slice %arg14[%dma_start3A_62, %dma_start3A_63] : memref<128x128xf32, #tpu.memory_space<vmem>> -> memref<104x128xf32, #tpu.memory_space<vmem>>
    %dma_start3A_65 = arith.constant 0 : i32
    %dma_start3A_66 = tpu.memref_slice %arg6[%add3A_61, %dma_start3A_65] : memref<10000x128xf32, #tpu.memory_space<hbm>> -> memref<104x128xf32, #tpu.memory_space<hbm>>
    %dma_start3A_67 = arith.constant 0 : i32
    %dma_start3A_68 = tpu.memref_slice %arg6[%add3A_61, %dma_start3A_67] : memref<10000x128xf32, #tpu.memory_space<hbm>> -> memref<104x128xf32, #tpu.memory_space<hbm>>
    %dma_start3A_69 = arith.constant 0 : i32
    %dma_start3A_70 = arith.constant 0 : i32
    %dma_start3A_71 = tpu.memref_slice %arg14[%dma_start3A_69, %dma_start3A_70] : memref<128x128xf32, #tpu.memory_space<vmem>> -> memref<104x128xf32, #tpu.memory_space<vmem>>
    tpu.enqueue_dma source(%dma_start3A_71 : memref<104x128xf32, #tpu.memory_space<vmem>>) target(%dma_start3A_68 : memref<104x128xf32, #tpu.memory_space<hbm>>) target_semaphore(%arg26 : memref<!tpu.dma_semaphore, #tpu.memory_space<semaphore_mem>>)
    %dma_wait3A_72 = arith.constant 0 : i32
    %dma_wait3A_73 = arith.constant 0 : i32
    %dma_wait3A_74 = tpu.memref_slice %arg15[%dma_wait3A_72, %dma_wait3A_73] : memref<128x128xf32, #tpu.memory_space<vmem>> -> memref<104x128xf32, #tpu.memory_space<vmem>>
    %dma_wait3A_75 = arith.constant 0 : i32
    %dma_wait3A_76 = tpu.memref_slice %arg8[%dma_wait3A_75] : memref<10000xi32, #tpu.memory_space<vmem>> -> memref<104xi32, #tpu.memory_space<vmem>>
    %dma_wait3A_77 = arith.constant 0 : i32
    %dma_wait3A_78 = arith.constant 0 : i32
    %dma_wait3A_79 = tpu.memref_slice %arg11[%dma_wait3A_77, %dma_wait3A_78] : memref<32x128xf32, #tpu.memory_space<vmem_shared>> -> memref<32x128xf32, #tpu.memory_space<vmem_shared>>
    tpu.wait_indirect_dma semaphore(%arg21 : memref<!tpu.dma_semaphore, #tpu.memory_space<semaphore_mem>>) src(%dma_wait3A_79 : memref<32x128xf32, #tpu.memory_space<vmem_shared>>) dst(%dma_wait3A_74 : memref<104x128xf32, #tpu.memory_space<vmem>>)
    %add3A_80 = arith.constant 208 : i32
    %add3A_81 = arith.addi %mul3A_6, %add3A_80 : i32
    %dma_start3A_82 = arith.constant 0 : i32
    %dma_start3A_83 = arith.constant 0 : i32
    %dma_start3A_84 = tpu.memref_slice %arg15[%dma_start3A_82, %dma_start3A_83] : memref<128x128xf32, #tpu.memory_space<vmem>> -> memref<104x128xf32, #tpu.memory_space<vmem>>
    %dma_start3A_85 = arith.constant 0 : i32
    %dma_start3A_86 = tpu.memref_slice %arg6[%add3A_81, %dma_start3A_85] : memref<10000x128xf32, #tpu.memory_space<hbm>> -> memref<104x128xf32, #tpu.memory_space<hbm>>
    %dma_start3A_87 = arith.constant 0 : i32
    %dma_start3A_88 = tpu.memref_slice %arg6[%add3A_81, %dma_start3A_87] : memref<10000x128xf32, #tpu.memory_space<hbm>> -> memref<104x128xf32, #tpu.memory_space<hbm>>
    %dma_start3A_89 = arith.constant 0 : i32
    %dma_start3A_90 = arith.constant 0 : i32
    %dma_start3A_91 = tpu.memref_slice %arg15[%dma_start3A_89, %dma_start3A_90] : memref<128x128xf32, #tpu.memory_space<vmem>> -> memref<104x128xf32, #tpu.memory_space<vmem>>
    tpu.enqueue_dma source(%dma_start3A_91 : memref<104x128xf32, #tpu.memory_space<vmem>>) target(%dma_start3A_88 : memref<104x128xf32, #tpu.memory_space<hbm>>) target_semaphore(%arg27 : memref<!tpu.dma_semaphore, #tpu.memory_space<semaphore_mem>>)
    %convert_element_type3A_92 = arith.extui %eq3A_1 : i1 to i32
    %cond3A_93 = arith.constant 0 : i32
    %cond3A_94 = arith.cmpi ne, %convert_element_type3A_92, %cond3A_93 : i32
    scf.if %cond3A_94 {
      %dma_wait3A_421 = arith.constant 0 : i32
      %dma_wait3A_422 = arith.constant 0 : i32
      %dma_wait3A_423 = tpu.memref_slice %arg11[%dma_wait3A_421, %dma_wait3A_422] : memref<32x128xf32, #tpu.memory_space<vmem_shared>> -> memref<32x128xf32, #tpu.memory_space<vmem_shared>>
      tpu.wait_indirect_dma semaphore(%arg31 : memref<!tpu.dma_semaphore, #tpu.memory_space<semaphore_mem>>) src(%dma_wait3A_423 : memref<32x128xf32, #tpu.memory_space<vmem_shared>>) dst(%arg10 : memref<16x128xf32, #tpu.memory_space<vmem>>)
      %dma_start3A_424 = arith.constant 9984 : i32
      %dma_start3A_425 = arith.constant 0 : i32
      %dma_start3A_426 = tpu.memref_slice %arg6[%dma_start3A_424, %dma_start3A_425] : memref<10000x128xf32, #tpu.memory_space<hbm>> -> memref<16x128xf32, #tpu.memory_space<hbm>>
      %dma_start3A_427 = arith.constant 9984 : i32
      %dma_start3A_428 = arith.constant 0 : i32
      %dma_start3A_429 = tpu.memref_slice %arg6[%dma_start3A_427, %dma_start3A_428] : memref<10000x128xf32, #tpu.memory_space<hbm>> -> memref<16x128xf32, #tpu.memory_space<hbm>>
      tpu.enqueue_dma source(%arg10 : memref<16x128xf32, #tpu.memory_space<vmem>>) target(%dma_start3A_429 : memref<16x128xf32, #tpu.memory_space<hbm>>) target_semaphore(%arg32 : memref<!tpu.dma_semaphore, #tpu.memory_space<semaphore_mem>>)
    } else {
    }
    %mul3A_95 = arith.constant 10000 : i32
    %mul3A_96 = arith.muli %add3A, %mul3A_95 : i32
    "tpu.region"() ({
      %run_scoped3A = tpu.sem_alloc : memref<!tpu.dma_semaphore, #tpu.memory_space<semaphore_mem>>
      %dma_start3A_421 = tpu.memref_slice %arg3[%mul3A_96] : memref<320000xi32, #tpu.memory_space<hbm>> -> memref<10000xi32, #tpu.memory_space<hbm>>
      %dma_start3A_422 = tpu.memref_slice %arg3[%mul3A_96] : memref<320000xi32, #tpu.memory_space<hbm>> -> memref<10000xi32, #tpu.memory_space<hbm>>
      tpu.enqueue_dma source(%dma_start3A_422 : memref<10000xi32, #tpu.memory_space<hbm>>) target(%arg8 : memref<10000xi32, #tpu.memory_space<vmem>>) target_semaphore(%run_scoped3A : memref<!tpu.dma_semaphore, #tpu.memory_space<semaphore_mem>>)
      %dma_wait3A_423 = tpu.memref_slice %arg3[%mul3A_96] : memref<320000xi32, #tpu.memory_space<hbm>> -> memref<10000xi32, #tpu.memory_space<hbm>>
      %dma_wait3A_424 = tpu.memref_slice %arg3[%mul3A_96] : memref<320000xi32, #tpu.memory_space<hbm>> -> memref<10000xi32, #tpu.memory_space<hbm>>
      tpu.wait_dma2 semaphore(%run_scoped3A : memref<!tpu.dma_semaphore, #tpu.memory_space<semaphore_mem>>) src(%dma_wait3A_424 : memref<10000xi32, #tpu.memory_space<hbm>>) dst(%arg8 : memref<10000xi32, #tpu.memory_space<vmem>>)
      tpu.yield
    }) : () -> ()
    %dma_wait3A_97 = arith.constant 0 : i32
    %dma_wait3A_98 = arith.constant 0 : i32
    %dma_wait3A_99 = tpu.memref_slice %arg13[%dma_wait3A_97, %dma_wait3A_98] : memref<128x128xf32, #tpu.memory_space<vmem>> -> memref<104x128xf32, #tpu.memory_space<vmem>>
    %dma_wait3A_100 = arith.constant 0 : i32
    %dma_wait3A_101 = arith.constant 0 : i32
    %dma_wait3A_102 = tpu.memref_slice %arg6[%dma_wait3A_100, %dma_wait3A_101] : memref<10000x128xf32, #tpu.memory_space<hbm>> -> memref<104x128xf32, #tpu.memory_space<hbm>>
    %dma_wait3A_103 = arith.constant 0 : i32
    %dma_wait3A_104 = arith.constant 0 : i32
    %dma_wait3A_105 = tpu.memref_slice %arg6[%dma_wait3A_103, %dma_wait3A_104] : memref<10000x128xf32, #tpu.memory_space<hbm>> -> memref<104x128xf32, #tpu.memory_space<hbm>>
    %dma_wait3A_106 = arith.constant 0 : i32
    %dma_wait3A_107 = arith.constant 0 : i32
    %dma_wait3A_108 = tpu.memref_slice %arg13[%dma_wait3A_106, %dma_wait3A_107] : memref<128x128xf32, #tpu.memory_space<vmem>> -> memref<104x128xf32, #tpu.memory_space<vmem>>
    tpu.wait_dma2 semaphore(%arg25 : memref<!tpu.dma_semaphore, #tpu.memory_space<semaphore_mem>>) src(%dma_wait3A_108 : memref<104x128xf32, #tpu.memory_space<vmem>>) dst(%dma_wait3A_105 : memref<104x128xf32, #tpu.memory_space<hbm>>)
    %dma_start3A_109 = arith.constant 0 : i32
    %dma_start3A_110 = arith.constant 0 : i32
    %dma_start3A_111 = tpu.memref_slice %arg13[%dma_start3A_109, %dma_start3A_110] : memref<128x128xf32, #tpu.memory_space<vmem>> -> memref<128x128xf32, #tpu.memory_space<vmem>>
    %dma_start3A_112 = arith.constant 0 : i32
    %dma_start3A_113 = tpu.memref_slice %arg8[%dma_start3A_112] : memref<10000xi32, #tpu.memory_space<vmem>> -> memref<128xi32, #tpu.memory_space<vmem>>
    %dma_start3A_114 = arith.constant 0 : i32
    %dma_start3A_115 = arith.constant 0 : i32
    %dma_start3A_116 = tpu.memref_slice %arg12[%dma_start3A_114, %dma_start3A_115] : memref<16x128xf32, #tpu.memory_space<vmem_shared>> -> memref<16x128xf32, #tpu.memory_space<vmem_shared>>
    tpu.enqueue_indirect_dma source(%dma_start3A_116 : memref<16x128xf32, #tpu.memory_space<vmem_shared>>) target(%dma_start3A_111 : memref<128x128xf32, #tpu.memory_space<vmem>>) offsets(%dma_start3A_113 : memref<128xi32, #tpu.memory_space<vmem>>) semaphore(%arg19 : memref<!tpu.dma_semaphore, #tpu.memory_space<semaphore_mem>>)
    %dma_wait3A_117 = arith.constant 0 : i32
    %dma_wait3A_118 = arith.constant 0 : i32
    %dma_wait3A_119 = tpu.memref_slice %arg14[%dma_wait3A_117, %dma_wait3A_118] : memref<128x128xf32, #tpu.memory_space<vmem>> -> memref<104x128xf32, #tpu.memory_space<vmem>>
    %dma_wait3A_120 = arith.constant 0 : i32
    %dma_wait3A_121 = arith.constant 0 : i32
    %dma_wait3A_122 = tpu.memref_slice %arg6[%dma_wait3A_120, %dma_wait3A_121] : memref<10000x128xf32, #tpu.memory_space<hbm>> -> memref<104x128xf32, #tpu.memory_space<hbm>>
    %dma_wait3A_123 = arith.constant 0 : i32
    %dma_wait3A_124 = arith.constant 0 : i32
    %dma_wait3A_125 = tpu.memref_slice %arg6[%dma_wait3A_123, %dma_wait3A_124] : memref<10000x128xf32, #tpu.memory_space<hbm>> -> memref<104x128xf32, #tpu.memory_space<hbm>>
    %dma_wait3A_126 = arith.constant 0 : i32
    %dma_wait3A_127 = arith.constant 0 : i32
    %dma_wait3A_128 = tpu.memref_slice %arg14[%dma_wait3A_126, %dma_wait3A_127] : memref<128x128xf32, #tpu.memory_space<vmem>> -> memref<104x128xf32, #tpu.memory_space<vmem>>
    tpu.wait_dma2 semaphore(%arg26 : memref<!tpu.dma_semaphore, #tpu.memory_space<semaphore_mem>>) src(%dma_wait3A_128 : memref<104x128xf32, #tpu.memory_space<vmem>>) dst(%dma_wait3A_125 : memref<104x128xf32, #tpu.memory_space<hbm>>)
    %dma_start3A_129 = arith.constant 0 : i32
    %dma_start3A_130 = arith.constant 0 : i32
    %dma_start3A_131 = tpu.memref_slice %arg14[%dma_start3A_129, %dma_start3A_130] : memref<128x128xf32, #tpu.memory_space<vmem>> -> memref<128x128xf32, #tpu.memory_space<vmem>>
    %dma_start3A_132 = arith.constant 128 : i32
    %dma_start3A_133 = tpu.memref_slice %arg8[%dma_start3A_132] : memref<10000xi32, #tpu.memory_space<vmem>> -> memref<128xi32, #tpu.memory_space<vmem>>
    %dma_start3A_134 = arith.constant 0 : i32
    %dma_start3A_135 = arith.constant 0 : i32
    %dma_start3A_136 = tpu.memref_slice %arg12[%dma_start3A_134, %dma_start3A_135] : memref<16x128xf32, #tpu.memory_space<vmem_shared>> -> memref<16x128xf32, #tpu.memory_space<vmem_shared>>
    tpu.enqueue_indirect_dma source(%dma_start3A_136 : memref<16x128xf32, #tpu.memory_space<vmem_shared>>) target(%dma_start3A_131 : memref<128x128xf32, #tpu.memory_space<vmem>>) offsets(%dma_start3A_133 : memref<128xi32, #tpu.memory_space<vmem>>) semaphore(%arg20 : memref<!tpu.dma_semaphore, #tpu.memory_space<semaphore_mem>>)
    %dma_wait3A_137 = arith.constant 0 : i32
    %dma_wait3A_138 = arith.constant 0 : i32
    %dma_wait3A_139 = tpu.memref_slice %arg15[%dma_wait3A_137, %dma_wait3A_138] : memref<128x128xf32, #tpu.memory_space<vmem>> -> memref<104x128xf32, #tpu.memory_space<vmem>>
    %dma_wait3A_140 = arith.constant 0 : i32
    %dma_wait3A_141 = arith.constant 0 : i32
    %dma_wait3A_142 = tpu.memref_slice %arg6[%dma_wait3A_140, %dma_wait3A_141] : memref<10000x128xf32, #tpu.memory_space<hbm>> -> memref<104x128xf32, #tpu.memory_space<hbm>>
    %dma_wait3A_143 = arith.constant 0 : i32
    %dma_wait3A_144 = arith.constant 0 : i32
    %dma_wait3A_145 = tpu.memref_slice %arg6[%dma_wait3A_143, %dma_wait3A_144] : memref<10000x128xf32, #tpu.memory_space<hbm>> -> memref<104x128xf32, #tpu.memory_space<hbm>>
    %dma_wait3A_146 = arith.constant 0 : i32
    %dma_wait3A_147 = arith.constant 0 : i32
    %dma_wait3A_148 = tpu.memref_slice %arg15[%dma_wait3A_146, %dma_wait3A_147] : memref<128x128xf32, #tpu.memory_space<vmem>> -> memref<104x128xf32, #tpu.memory_space<vmem>>
    tpu.wait_dma2 semaphore(%arg27 : memref<!tpu.dma_semaphore, #tpu.memory_space<semaphore_mem>>) src(%dma_wait3A_148 : memref<104x128xf32, #tpu.memory_space<vmem>>) dst(%dma_wait3A_145 : memref<104x128xf32, #tpu.memory_space<hbm>>)
    %dma_start3A_149 = arith.constant 0 : i32
    %dma_start3A_150 = arith.constant 0 : i32
    %dma_start3A_151 = tpu.memref_slice %arg15[%dma_start3A_149, %dma_start3A_150] : memref<128x128xf32, #tpu.memory_space<vmem>> -> memref<128x128xf32, #tpu.memory_space<vmem>>
    %dma_start3A_152 = arith.constant 256 : i32
    %dma_start3A_153 = tpu.memref_slice %arg8[%dma_start3A_152] : memref<10000xi32, #tpu.memory_space<vmem>> -> memref<128xi32, #tpu.memory_space<vmem>>
    %dma_start3A_154 = arith.constant 0 : i32
    %dma_start3A_155 = arith.constant 0 : i32
    %dma_start3A_156 = tpu.memref_slice %arg12[%dma_start3A_154, %dma_start3A_155] : memref<16x128xf32, #tpu.memory_space<vmem_shared>> -> memref<16x128xf32, #tpu.memory_space<vmem_shared>>
    tpu.enqueue_indirect_dma source(%dma_start3A_156 : memref<16x128xf32, #tpu.memory_space<vmem_shared>>) target(%dma_start3A_151 : memref<128x128xf32, #tpu.memory_space<vmem>>) offsets(%dma_start3A_153 : memref<128xi32, #tpu.memory_space<vmem>>) semaphore(%arg21 : memref<!tpu.dma_semaphore, #tpu.memory_space<semaphore_mem>>)
    %dma_start3A_157 = arith.constant 0 : i32
    %dma_start3A_158 = arith.constant 0 : i32
    %dma_start3A_159 = tpu.memref_slice %arg16[%dma_start3A_157, %dma_start3A_158] : memref<128x128xf32, #tpu.memory_space<vmem>> -> memref<128x128xf32, #tpu.memory_space<vmem>>
    %dma_start3A_160 = arith.constant 384 : i32
    %dma_start3A_161 = tpu.memref_slice %arg8[%dma_start3A_160] : memref<10000xi32, #tpu.memory_space<vmem>> -> memref<128xi32, #tpu.memory_space<vmem>>
    %dma_start3A_162 = arith.constant 0 : i32
    %dma_start3A_163 = arith.constant 0 : i32
    %dma_start3A_164 = tpu.memref_slice %arg12[%dma_start3A_162, %dma_start3A_163] : memref<16x128xf32, #tpu.memory_space<vmem_shared>> -> memref<16x128xf32, #tpu.memory_space<vmem_shared>>
    tpu.enqueue_indirect_dma source(%dma_start3A_164 : memref<16x128xf32, #tpu.memory_space<vmem_shared>>) target(%dma_start3A_159 : memref<128x128xf32, #tpu.memory_space<vmem>>) offsets(%dma_start3A_161 : memref<128xi32, #tpu.memory_space<vmem>>) semaphore(%arg22 : memref<!tpu.dma_semaphore, #tpu.memory_space<semaphore_mem>>)
    %dma_start3A_165 = arith.constant 0 : i32
    %dma_start3A_166 = arith.constant 0 : i32
    %dma_start3A_167 = tpu.memref_slice %arg17[%dma_start3A_165, %dma_start3A_166] : memref<128x128xf32, #tpu.memory_space<vmem>> -> memref<128x128xf32, #tpu.memory_space<vmem>>
    %dma_start3A_168 = arith.constant 512 : i32
    %dma_start3A_169 = tpu.memref_slice %arg8[%dma_start3A_168] : memref<10000xi32, #tpu.memory_space<vmem>> -> memref<128xi32, #tpu.memory_space<vmem>>
    %dma_start3A_170 = arith.constant 0 : i32
    %dma_start3A_171 = arith.constant 0 : i32
    %dma_start3A_172 = tpu.memref_slice %arg12[%dma_start3A_170, %dma_start3A_171] : memref<16x128xf32, #tpu.memory_space<vmem_shared>> -> memref<16x128xf32, #tpu.memory_space<vmem_shared>>
    tpu.enqueue_indirect_dma source(%dma_start3A_172 : memref<16x128xf32, #tpu.memory_space<vmem_shared>>) target(%dma_start3A_167 : memref<128x128xf32, #tpu.memory_space<vmem>>) offsets(%dma_start3A_169 : memref<128xi32, #tpu.memory_space<vmem>>) semaphore(%arg23 : memref<!tpu.dma_semaphore, #tpu.memory_space<semaphore_mem>>)
    %dma_wait3A_173 = arith.constant 0 : i32
    %dma_wait3A_174 = arith.constant 0 : i32
    %dma_wait3A_175 = tpu.memref_slice %arg13[%dma_wait3A_173, %dma_wait3A_174] : memref<128x128xf32, #tpu.memory_space<vmem>> -> memref<128x128xf32, #tpu.memory_space<vmem>>
    %dma_wait3A_176 = arith.constant 0 : i32
    %dma_wait3A_177 = tpu.memref_slice %arg8[%dma_wait3A_176] : memref<10000xi32, #tpu.memory_space<vmem>> -> memref<128xi32, #tpu.memory_space<vmem>>
    %dma_wait3A_178 = arith.constant 0 : i32
    %dma_wait3A_179 = arith.constant 0 : i32
    %dma_wait3A_180 = tpu.memref_slice %arg12[%dma_wait3A_178, %dma_wait3A_179] : memref<16x128xf32, #tpu.memory_space<vmem_shared>> -> memref<16x128xf32, #tpu.memory_space<vmem_shared>>
    tpu.wait_indirect_dma semaphore(%arg19 : memref<!tpu.dma_semaphore, #tpu.memory_space<semaphore_mem>>) src(%dma_wait3A_180 : memref<16x128xf32, #tpu.memory_space<vmem_shared>>) dst(%dma_wait3A_175 : memref<128x128xf32, #tpu.memory_space<vmem>>)
    %add3A_181 = arith.constant 0 : i32
    %add3A_182 = arith.addi %mul3A_96, %add3A_181 : i32
    %dma_start3A_183 = arith.constant 0 : i32
    %dma_start3A_184 = arith.constant 0 : i32
    %dma_start3A_185 = tpu.memref_slice %arg13[%dma_start3A_183, %dma_start3A_184] : memref<128x128xf32, #tpu.memory_space<vmem>> -> memref<128x128xf32, #tpu.memory_space<vmem>>
    %dma_start3A_186 = arith.constant 0 : i32
    %dma_start3A_187 = tpu.memref_slice %arg7[%add3A_182, %dma_start3A_186] : memref<320000x128xf32, #tpu.memory_space<hbm>> -> memref<128x128xf32, #tpu.memory_space<hbm>>
    %dma_start3A_188 = arith.constant 0 : i32
    %dma_start3A_189 = tpu.memref_slice %arg7[%add3A_182, %dma_start3A_188] : memref<320000x128xf32, #tpu.memory_space<hbm>> -> memref<128x128xf32, #tpu.memory_space<hbm>>
    %dma_start3A_190 = arith.constant 0 : i32
    %dma_start3A_191 = arith.constant 0 : i32
    %dma_start3A_192 = tpu.memref_slice %arg13[%dma_start3A_190, %dma_start3A_191] : memref<128x128xf32, #tpu.memory_space<vmem>> -> memref<128x128xf32, #tpu.memory_space<vmem>>
    tpu.enqueue_dma source(%dma_start3A_192 : memref<128x128xf32, #tpu.memory_space<vmem>>) target(%dma_start3A_189 : memref<128x128xf32, #tpu.memory_space<hbm>>) target_semaphore(%arg25 : memref<!tpu.dma_semaphore, #tpu.memory_space<semaphore_mem>>)
    %dma_start3A_193 = arith.constant 0 : i32
    %dma_start3A_194 = arith.constant 0 : i32
    %dma_start3A_195 = tpu.memref_slice %arg18[%dma_start3A_193, %dma_start3A_194] : memref<128x128xf32, #tpu.memory_space<vmem>> -> memref<128x128xf32, #tpu.memory_space<vmem>>
    %dma_start3A_196 = arith.constant 640 : i32
    %dma_start3A_197 = tpu.memref_slice %arg8[%dma_start3A_196] : memref<10000xi32, #tpu.memory_space<vmem>> -> memref<128xi32, #tpu.memory_space<vmem>>
    %dma_start3A_198 = arith.constant 0 : i32
    %dma_start3A_199 = arith.constant 0 : i32
    %dma_start3A_200 = tpu.memref_slice %arg12[%dma_start3A_198, %dma_start3A_199] : memref<16x128xf32, #tpu.memory_space<vmem_shared>> -> memref<16x128xf32, #tpu.memory_space<vmem_shared>>
    tpu.enqueue_indirect_dma source(%dma_start3A_200 : memref<16x128xf32, #tpu.memory_space<vmem_shared>>) target(%dma_start3A_195 : memref<128x128xf32, #tpu.memory_space<vmem>>) offsets(%dma_start3A_197 : memref<128xi32, #tpu.memory_space<vmem>>) semaphore(%arg24 : memref<!tpu.dma_semaphore, #tpu.memory_space<semaphore_mem>>)
    %dma_wait3A_201 = arith.constant 0 : i32
    %dma_wait3A_202 = arith.constant 0 : i32
    %dma_wait3A_203 = tpu.memref_slice %arg14[%dma_wait3A_201, %dma_wait3A_202] : memref<128x128xf32, #tpu.memory_space<vmem>> -> memref<128x128xf32, #tpu.memory_space<vmem>>
    %dma_wait3A_204 = arith.constant 0 : i32
    %dma_wait3A_205 = tpu.memref_slice %arg8[%dma_wait3A_204] : memref<10000xi32, #tpu.memory_space<vmem>> -> memref<128xi32, #tpu.memory_space<vmem>>
    %dma_wait3A_206 = arith.constant 0 : i32
    %dma_wait3A_207 = arith.constant 0 : i32
    %dma_wait3A_208 = tpu.memref_slice %arg12[%dma_wait3A_206, %dma_wait3A_207] : memref<16x128xf32, #tpu.memory_space<vmem_shared>> -> memref<16x128xf32, #tpu.memory_space<vmem_shared>>
    tpu.wait_indirect_dma semaphore(%arg20 : memref<!tpu.dma_semaphore, #tpu.memory_space<semaphore_mem>>) src(%dma_wait3A_208 : memref<16x128xf32, #tpu.memory_space<vmem_shared>>) dst(%dma_wait3A_203 : memref<128x128xf32, #tpu.memory_space<vmem>>)
    %add3A_209 = arith.constant 128 : i32
    %add3A_210 = arith.addi %mul3A_96, %add3A_209 : i32
    %dma_start3A_211 = arith.constant 0 : i32
    %dma_start3A_212 = arith.constant 0 : i32
    %dma_start3A_213 = tpu.memref_slice %arg14[%dma_start3A_211, %dma_start3A_212] : memref<128x128xf32, #tpu.memory_space<vmem>> -> memref<128x128xf32, #tpu.memory_space<vmem>>
    %dma_start3A_214 = arith.constant 0 : i32
    %dma_start3A_215 = tpu.memref_slice %arg7[%add3A_210, %dma_start3A_214] : memref<320000x128xf32, #tpu.memory_space<hbm>> -> memref<128x128xf32, #tpu.memory_space<hbm>>
    %dma_start3A_216 = arith.constant 0 : i32
    %dma_start3A_217 = tpu.memref_slice %arg7[%add3A_210, %dma_start3A_216] : memref<320000x128xf32, #tpu.memory_space<hbm>> -> memref<128x128xf32, #tpu.memory_space<hbm>>
    %dma_start3A_218 = arith.constant 0 : i32
    %dma_start3A_219 = arith.constant 0 : i32
    %dma_start3A_220 = tpu.memref_slice %arg14[%dma_start3A_218, %dma_start3A_219] : memref<128x128xf32, #tpu.memory_space<vmem>> -> memref<128x128xf32, #tpu.memory_space<vmem>>
    tpu.enqueue_dma source(%dma_start3A_220 : memref<128x128xf32, #tpu.memory_space<vmem>>) target(%dma_start3A_217 : memref<128x128xf32, #tpu.memory_space<hbm>>) target_semaphore(%arg26 : memref<!tpu.dma_semaphore, #tpu.memory_space<semaphore_mem>>)
    %scan3A = arith.constant 0 : i32
    %scan3A_221 = arith.constant 0 : i32
    %scan3A_222 = arith.constant 12 : i32
    %scan3A_223 = arith.addi %scan3A_221, %scan3A_222 : i32
    %scan3A_224 = arith.constant 1 : i32
    scf.for %scan3A_421 = %scan3A_221 to %scan3A_223 step %scan3A_224  : i32 {
      %mul3A_422 = arith.constant 6 : i32
      %mul3A_423 = arith.muli %mul3A_422, %scan3A_421 : i32
      %add3A_424 = arith.constant 2 : i32
      %add3A_425 = arith.addi %add3A_424, %mul3A_423 : i32
      %dma_wait3A_426 = arith.constant 0 : i32
      %dma_wait3A_427 = arith.constant 0 : i32
      %dma_wait3A_428 = tpu.memref_slice %arg13[%dma_wait3A_426, %dma_wait3A_427] : memref<128x128xf32, #tpu.memory_space<vmem>> -> memref<128x128xf32, #tpu.memory_space<vmem>>
      %dma_wait3A_429 = arith.constant 0 : i32
      %dma_wait3A_430 = arith.constant 0 : i32
      %dma_wait3A_431 = tpu.memref_slice %arg7[%dma_wait3A_429, %dma_wait3A_430] : memref<320000x128xf32, #tpu.memory_space<hbm>> -> memref<128x128xf32, #tpu.memory_space<hbm>>
      %dma_wait3A_432 = arith.constant 0 : i32
      %dma_wait3A_433 = arith.constant 0 : i32
      %dma_wait3A_434 = tpu.memref_slice %arg7[%dma_wait3A_432, %dma_wait3A_433] : memref<320000x128xf32, #tpu.memory_space<hbm>> -> memref<128x128xf32, #tpu.memory_space<hbm>>
      %dma_wait3A_435 = arith.constant 0 : i32
      %dma_wait3A_436 = arith.constant 0 : i32
      %dma_wait3A_437 = tpu.memref_slice %arg13[%dma_wait3A_435, %dma_wait3A_436] : memref<128x128xf32, #tpu.memory_space<vmem>> -> memref<128x128xf32, #tpu.memory_space<vmem>>
      tpu.wait_dma2 semaphore(%arg25 : memref<!tpu.dma_semaphore, #tpu.memory_space<semaphore_mem>>) src(%dma_wait3A_437 : memref<128x128xf32, #tpu.memory_space<vmem>>) dst(%dma_wait3A_434 : memref<128x128xf32, #tpu.memory_space<hbm>>)
      %add3A_438 = arith.constant 0 : i32
      %add3A_439 = arith.addi %add3A_425, %add3A_438 : i32
      %add3A_440 = arith.constant 4 : i32
      %add3A_441 = arith.addi %add3A_439, %add3A_440 : i32
      %mul3A_442 = arith.constant 128 : i32
      %mul3A_443 = arith.muli %add3A_441, %mul3A_442 : i32
      %dma_start3A_444 = arith.constant 0 : i32
      %dma_start3A_445 = arith.constant 0 : i32
      %dma_start3A_446 = tpu.memref_slice %arg13[%dma_start3A_444, %dma_start3A_445] : memref<128x128xf32, #tpu.memory_space<vmem>> -> memref<128x128xf32, #tpu.memory_space<vmem>>
      %dma_start3A_447 = tpu.memref_slice %arg8[%mul3A_443] : memref<10000xi32, #tpu.memory_space<vmem>> -> memref<128xi32, #tpu.memory_space<vmem>>
      %dma_start3A_448 = arith.constant 0 : i32
      %dma_start3A_449 = arith.constant 0 : i32
      %dma_start3A_450 = tpu.memref_slice %arg12[%dma_start3A_448, %dma_start3A_449] : memref<16x128xf32, #tpu.memory_space<vmem_shared>> -> memref<16x128xf32, #tpu.memory_space<vmem_shared>>
      tpu.enqueue_indirect_dma source(%dma_start3A_450 : memref<16x128xf32, #tpu.memory_space<vmem_shared>>) target(%dma_start3A_446 : memref<128x128xf32, #tpu.memory_space<vmem>>) offsets(%dma_start3A_447 : memref<128xi32, #tpu.memory_space<vmem>>) semaphore(%arg19 : memref<!tpu.dma_semaphore, #tpu.memory_space<semaphore_mem>>)
      %dma_wait3A_451 = arith.constant 0 : i32
      %dma_wait3A_452 = arith.constant 0 : i32
      %dma_wait3A_453 = tpu.memref_slice %arg15[%dma_wait3A_451, %dma_wait3A_452] : memref<128x128xf32, #tpu.memory_space<vmem>> -> memref<128x128xf32, #tpu.memory_space<vmem>>
      %dma_wait3A_454 = arith.constant 0 : i32
      %dma_wait3A_455 = tpu.memref_slice %arg8[%dma_wait3A_454] : memref<10000xi32, #tpu.memory_space<vmem>> -> memref<128xi32, #tpu.memory_space<vmem>>
      %dma_wait3A_456 = arith.constant 0 : i32
      %dma_wait3A_457 = arith.constant 0 : i32
      %dma_wait3A_458 = tpu.memref_slice %arg12[%dma_wait3A_456, %dma_wait3A_457] : memref<16x128xf32, #tpu.memory_space<vmem_shared>> -> memref<16x128xf32, #tpu.memory_space<vmem_shared>>
      tpu.wait_indirect_dma semaphore(%arg21 : memref<!tpu.dma_semaphore, #tpu.memory_space<semaphore_mem>>) src(%dma_wait3A_458 : memref<16x128xf32, #tpu.memory_space<vmem_shared>>) dst(%dma_wait3A_453 : memref<128x128xf32, #tpu.memory_space<vmem>>)
      %add3A_459 = arith.constant 0 : i32
      %add3A_460 = arith.addi %add3A_425, %add3A_459 : i32
      %mul3A_461 = arith.constant 128 : i32
      %mul3A_462 = arith.muli %add3A_460, %mul3A_461 : i32
      %add3A_463 = arith.addi %mul3A_96, %mul3A_462 : i32
      %dma_start3A_464 = arith.constant 0 : i32
      %dma_start3A_465 = arith.constant 0 : i32
      %dma_start3A_466 = tpu.memref_slice %arg15[%dma_start3A_464, %dma_start3A_465] : memref<128x128xf32, #tpu.memory_space<vmem>> -> memref<128x128xf32, #tpu.memory_space<vmem>>
      %dma_start3A_467 = arith.constant 0 : i32
      %dma_start3A_468 = tpu.memref_slice %arg7[%add3A_463, %dma_start3A_467] : memref<320000x128xf32, #tpu.memory_space<hbm>> -> memref<128x128xf32, #tpu.memory_space<hbm>>
      %dma_start3A_469 = arith.constant 0 : i32
      %dma_start3A_470 = tpu.memref_slice %arg7[%add3A_463, %dma_start3A_469] : memref<320000x128xf32, #tpu.memory_space<hbm>> -> memref<128x128xf32, #tpu.memory_space<hbm>>
      %dma_start3A_471 = arith.constant 0 : i32
      %dma_start3A_472 = arith.constant 0 : i32
      %dma_start3A_473 = tpu.memref_slice %arg15[%dma_start3A_471, %dma_start3A_472] : memref<128x128xf32, #tpu.memory_space<vmem>> -> memref<128x128xf32, #tpu.memory_space<vmem>>
      tpu.enqueue_dma source(%dma_start3A_473 : memref<128x128xf32, #tpu.memory_space<vmem>>) target(%dma_start3A_470 : memref<128x128xf32, #tpu.memory_space<hbm>>) target_semaphore(%arg27 : memref<!tpu.dma_semaphore, #tpu.memory_space<semaphore_mem>>)
      %dma_wait3A_474 = arith.constant 0 : i32
      %dma_wait3A_475 = arith.constant 0 : i32
      %dma_wait3A_476 = tpu.memref_slice %arg14[%dma_wait3A_474, %dma_wait3A_475] : memref<128x128xf32, #tpu.memory_space<vmem>> -> memref<128x128xf32, #tpu.memory_space<vmem>>
      %dma_wait3A_477 = arith.constant 0 : i32
      %dma_wait3A_478 = arith.constant 0 : i32
      %dma_wait3A_479 = tpu.memref_slice %arg7[%dma_wait3A_477, %dma_wait3A_478] : memref<320000x128xf32, #tpu.memory_space<hbm>> -> memref<128x128xf32, #tpu.memory_space<hbm>>
      %dma_wait3A_480 = arith.constant 0 : i32
      %dma_wait3A_481 = arith.constant 0 : i32
      %dma_wait3A_482 = tpu.memref_slice %arg7[%dma_wait3A_480, %dma_wait3A_481] : memref<320000x128xf32, #tpu.memory_space<hbm>> -> memref<128x128xf32, #tpu.memory_space<hbm>>
      %dma_wait3A_483 = arith.constant 0 : i32
      %dma_wait3A_484 = arith.constant 0 : i32
      %dma_wait3A_485 = tpu.memref_slice %arg14[%dma_wait3A_483, %dma_wait3A_484] : memref<128x128xf32, #tpu.memory_space<vmem>> -> memref<128x128xf32, #tpu.memory_space<vmem>>
      tpu.wait_dma2 semaphore(%arg26 : memref<!tpu.dma_semaphore, #tpu.memory_space<semaphore_mem>>) src(%dma_wait3A_485 : memref<128x128xf32, #tpu.memory_space<vmem>>) dst(%dma_wait3A_482 : memref<128x128xf32, #tpu.memory_space<hbm>>)
      %add3A_486 = arith.constant 1 : i32
      %add3A_487 = arith.addi %add3A_425, %add3A_486 : i32
      %add3A_488 = arith.constant 4 : i32
      %add3A_489 = arith.addi %add3A_487, %add3A_488 : i32
      %mul3A_490 = arith.constant 128 : i32
      %mul3A_491 = arith.muli %add3A_489, %mul3A_490 : i32
      %dma_start3A_492 = arith.constant 0 : i32
      %dma_start3A_493 = arith.constant 0 : i32
      %dma_start3A_494 = tpu.memref_slice %arg14[%dma_start3A_492, %dma_start3A_493] : memref<128x128xf32, #tpu.memory_space<vmem>> -> memref<128x128xf32, #tpu.memory_space<vmem>>
      %dma_start3A_495 = tpu.memref_slice %arg8[%mul3A_491] : memref<10000xi32, #tpu.memory_space<vmem>> -> memref<128xi32, #tpu.memory_space<vmem>>
      %dma_start3A_496 = arith.constant 0 : i32
      %dma_start3A_497 = arith.constant 0 : i32
      %dma_start3A_498 = tpu.memref_slice %arg12[%dma_start3A_496, %dma_start3A_497] : memref<16x128xf32, #tpu.memory_space<vmem_shared>> -> memref<16x128xf32, #tpu.memory_space<vmem_shared>>
      tpu.enqueue_indirect_dma source(%dma_start3A_498 : memref<16x128xf32, #tpu.memory_space<vmem_shared>>) target(%dma_start3A_494 : memref<128x128xf32, #tpu.memory_space<vmem>>) offsets(%dma_start3A_495 : memref<128xi32, #tpu.memory_space<vmem>>) semaphore(%arg20 : memref<!tpu.dma_semaphore, #tpu.memory_space<semaphore_mem>>)
      %dma_wait3A_499 = arith.constant 0 : i32
      %dma_wait3A_500 = arith.constant 0 : i32
      %dma_wait3A_501 = tpu.memref_slice %arg16[%dma_wait3A_499, %dma_wait3A_500] : memref<128x128xf32, #tpu.memory_space<vmem>> -> memref<128x128xf32, #tpu.memory_space<vmem>>
      %dma_wait3A_502 = arith.constant 0 : i32
      %dma_wait3A_503 = tpu.memref_slice %arg8[%dma_wait3A_502] : memref<10000xi32, #tpu.memory_space<vmem>> -> memref<128xi32, #tpu.memory_space<vmem>>
      %dma_wait3A_504 = arith.constant 0 : i32
      %dma_wait3A_505 = arith.constant 0 : i32
      %dma_wait3A_506 = tpu.memref_slice %arg12[%dma_wait3A_504, %dma_wait3A_505] : memref<16x128xf32, #tpu.memory_space<vmem_shared>> -> memref<16x128xf32, #tpu.memory_space<vmem_shared>>
      tpu.wait_indirect_dma semaphore(%arg22 : memref<!tpu.dma_semaphore, #tpu.memory_space<semaphore_mem>>) src(%dma_wait3A_506 : memref<16x128xf32, #tpu.memory_space<vmem_shared>>) dst(%dma_wait3A_501 : memref<128x128xf32, #tpu.memory_space<vmem>>)
      %add3A_507 = arith.constant 1 : i32
      %add3A_508 = arith.addi %add3A_425, %add3A_507 : i32
      %mul3A_509 = arith.constant 128 : i32
      %mul3A_510 = arith.muli %add3A_508, %mul3A_509 : i32
      %add3A_511 = arith.addi %mul3A_96, %mul3A_510 : i32
      %dma_start3A_512 = arith.constant 0 : i32
      %dma_start3A_513 = arith.constant 0 : i32
      %dma_start3A_514 = tpu.memref_slice %arg16[%dma_start3A_512, %dma_start3A_513] : memref<128x128xf32, #tpu.memory_space<vmem>> -> memref<128x128xf32, #tpu.memory_space<vmem>>
      %dma_start3A_515 = arith.constant 0 : i32
      %dma_start3A_516 = tpu.memref_slice %arg7[%add3A_511, %dma_start3A_515] : memref<320000x128xf32, #tpu.memory_space<hbm>> -> memref<128x128xf32, #tpu.memory_space<hbm>>
      %dma_start3A_517 = arith.constant 0 : i32
      %dma_start3A_518 = tpu.memref_slice %arg7[%add3A_511, %dma_start3A_517] : memref<320000x128xf32, #tpu.memory_space<hbm>> -> memref<128x128xf32, #tpu.memory_space<hbm>>
      %dma_start3A_519 = arith.constant 0 : i32
      %dma_start3A_520 = arith.constant 0 : i32
      %dma_start3A_521 = tpu.memref_slice %arg16[%dma_start3A_519, %dma_start3A_520] : memref<128x128xf32, #tpu.memory_space<vmem>> -> memref<128x128xf32, #tpu.memory_space<vmem>>
      tpu.enqueue_dma source(%dma_start3A_521 : memref<128x128xf32, #tpu.memory_space<vmem>>) target(%dma_start3A_518 : memref<128x128xf32, #tpu.memory_space<hbm>>) target_semaphore(%arg28 : memref<!tpu.dma_semaphore, #tpu.memory_space<semaphore_mem>>)
      %dma_wait3A_522 = arith.constant 0 : i32
      %dma_wait3A_523 = arith.constant 0 : i32
      %dma_wait3A_524 = tpu.memref_slice %arg15[%dma_wait3A_522, %dma_wait3A_523] : memref<128x128xf32, #tpu.memory_space<vmem>> -> memref<128x128xf32, #tpu.memory_space<vmem>>
      %dma_wait3A_525 = arith.constant 0 : i32
      %dma_wait3A_526 = arith.constant 0 : i32
      %dma_wait3A_527 = tpu.memref_slice %arg7[%dma_wait3A_525, %dma_wait3A_526] : memref<320000x128xf32, #tpu.memory_space<hbm>> -> memref<128x128xf32, #tpu.memory_space<hbm>>
      %dma_wait3A_528 = arith.constant 0 : i32
      %dma_wait3A_529 = arith.constant 0 : i32
      %dma_wait3A_530 = tpu.memref_slice %arg7[%dma_wait3A_528, %dma_wait3A_529] : memref<320000x128xf32, #tpu.memory_space<hbm>> -> memref<128x128xf32, #tpu.memory_space<hbm>>
      %dma_wait3A_531 = arith.constant 0 : i32
      %dma_wait3A_532 = arith.constant 0 : i32
      %dma_wait3A_533 = tpu.memref_slice %arg15[%dma_wait3A_531, %dma_wait3A_532] : memref<128x128xf32, #tpu.memory_space<vmem>> -> memref<128x128xf32, #tpu.memory_space<vmem>>
      tpu.wait_dma2 semaphore(%arg27 : memref<!tpu.dma_semaphore, #tpu.memory_space<semaphore_mem>>) src(%dma_wait3A_533 : memref<128x128xf32, #tpu.memory_space<vmem>>) dst(%dma_wait3A_530 : memref<128x128xf32, #tpu.memory_space<hbm>>)
      %add3A_534 = arith.constant 2 : i32
      %add3A_535 = arith.addi %add3A_425, %add3A_534 : i32
      %add3A_536 = arith.constant 4 : i32
      %add3A_537 = arith.addi %add3A_535, %add3A_536 : i32
      %mul3A_538 = arith.constant 128 : i32
      %mul3A_539 = arith.muli %add3A_537, %mul3A_538 : i32
      %dma_start3A_540 = arith.constant 0 : i32
      %dma_start3A_541 = arith.constant 0 : i32
      %dma_start3A_542 = tpu.memref_slice %arg15[%dma_start3A_540, %dma_start3A_541] : memref<128x128xf32, #tpu.memory_space<vmem>> -> memref<128x128xf32, #tpu.memory_space<vmem>>
      %dma_start3A_543 = tpu.memref_slice %arg8[%mul3A_539] : memref<10000xi32, #tpu.memory_space<vmem>> -> memref<128xi32, #tpu.memory_space<vmem>>
      %dma_start3A_544 = arith.constant 0 : i32
      %dma_start3A_545 = arith.constant 0 : i32
      %dma_start3A_546 = tpu.memref_slice %arg12[%dma_start3A_544, %dma_start3A_545] : memref<16x128xf32, #tpu.memory_space<vmem_shared>> -> memref<16x128xf32, #tpu.memory_space<vmem_shared>>
      tpu.enqueue_indirect_dma source(%dma_start3A_546 : memref<16x128xf32, #tpu.memory_space<vmem_shared>>) target(%dma_start3A_542 : memref<128x128xf32, #tpu.memory_space<vmem>>) offsets(%dma_start3A_543 : memref<128xi32, #tpu.memory_space<vmem>>) semaphore(%arg21 : memref<!tpu.dma_semaphore, #tpu.memory_space<semaphore_mem>>)
      %dma_wait3A_547 = arith.constant 0 : i32
      %dma_wait3A_548 = arith.constant 0 : i32
      %dma_wait3A_549 = tpu.memref_slice %arg17[%dma_wait3A_547, %dma_wait3A_548] : memref<128x128xf32, #tpu.memory_space<vmem>> -> memref<128x128xf32, #tpu.memory_space<vmem>>
      %dma_wait3A_550 = arith.constant 0 : i32
      %dma_wait3A_551 = tpu.memref_slice %arg8[%dma_wait3A_550] : memref<10000xi32, #tpu.memory_space<vmem>> -> memref<128xi32, #tpu.memory_space<vmem>>
      %dma_wait3A_552 = arith.constant 0 : i32
      %dma_wait3A_553 = arith.constant 0 : i32
      %dma_wait3A_554 = tpu.memref_slice %arg12[%dma_wait3A_552, %dma_wait3A_553] : memref<16x128xf32, #tpu.memory_space<vmem_shared>> -> memref<16x128xf32, #tpu.memory_space<vmem_shared>>
      tpu.wait_indirect_dma semaphore(%arg23 : memref<!tpu.dma_semaphore, #tpu.memory_space<semaphore_mem>>) src(%dma_wait3A_554 : memref<16x128xf32, #tpu.memory_space<vmem_shared>>) dst(%dma_wait3A_549 : memref<128x128xf32, #tpu.memory_space<vmem>>)
      %add3A_555 = arith.constant 2 : i32
      %add3A_556 = arith.addi %add3A_425, %add3A_555 : i32
      %mul3A_557 = arith.constant 128 : i32
      %mul3A_558 = arith.muli %add3A_556, %mul3A_557 : i32
      %add3A_559 = arith.addi %mul3A_96, %mul3A_558 : i32
      %dma_start3A_560 = arith.constant 0 : i32
      %dma_start3A_561 = arith.constant 0 : i32
      %dma_start3A_562 = tpu.memref_slice %arg17[%dma_start3A_560, %dma_start3A_561] : memref<128x128xf32, #tpu.memory_space<vmem>> -> memref<128x128xf32, #tpu.memory_space<vmem>>
      %dma_start3A_563 = arith.constant 0 : i32
      %dma_start3A_564 = tpu.memref_slice %arg7[%add3A_559, %dma_start3A_563] : memref<320000x128xf32, #tpu.memory_space<hbm>> -> memref<128x128xf32, #tpu.memory_space<hbm>>
      %dma_start3A_565 = arith.constant 0 : i32
      %dma_start3A_566 = tpu.memref_slice %arg7[%add3A_559, %dma_start3A_565] : memref<320000x128xf32, #tpu.memory_space<hbm>> -> memref<128x128xf32, #tpu.memory_space<hbm>>
      %dma_start3A_567 = arith.constant 0 : i32
      %dma_start3A_568 = arith.constant 0 : i32
      %dma_start3A_569 = tpu.memref_slice %arg17[%dma_start3A_567, %dma_start3A_568] : memref<128x128xf32, #tpu.memory_space<vmem>> -> memref<128x128xf32, #tpu.memory_space<vmem>>
      tpu.enqueue_dma source(%dma_start3A_569 : memref<128x128xf32, #tpu.memory_space<vmem>>) target(%dma_start3A_566 : memref<128x128xf32, #tpu.memory_space<hbm>>) target_semaphore(%arg29 : memref<!tpu.dma_semaphore, #tpu.memory_space<semaphore_mem>>)
      %dma_wait3A_570 = arith.constant 0 : i32
      %dma_wait3A_571 = arith.constant 0 : i32
      %dma_wait3A_572 = tpu.memref_slice %arg16[%dma_wait3A_570, %dma_wait3A_571] : memref<128x128xf32, #tpu.memory_space<vmem>> -> memref<128x128xf32, #tpu.memory_space<vmem>>
      %dma_wait3A_573 = arith.constant 0 : i32
      %dma_wait3A_574 = arith.constant 0 : i32
      %dma_wait3A_575 = tpu.memref_slice %arg7[%dma_wait3A_573, %dma_wait3A_574] : memref<320000x128xf32, #tpu.memory_space<hbm>> -> memref<128x128xf32, #tpu.memory_space<hbm>>
      %dma_wait3A_576 = arith.constant 0 : i32
      %dma_wait3A_577 = arith.constant 0 : i32
      %dma_wait3A_578 = tpu.memref_slice %arg7[%dma_wait3A_576, %dma_wait3A_577] : memref<320000x128xf32, #tpu.memory_space<hbm>> -> memref<128x128xf32, #tpu.memory_space<hbm>>
      %dma_wait3A_579 = arith.constant 0 : i32
      %dma_wait3A_580 = arith.constant 0 : i32
      %dma_wait3A_581 = tpu.memref_slice %arg16[%dma_wait3A_579, %dma_wait3A_580] : memref<128x128xf32, #tpu.memory_space<vmem>> -> memref<128x128xf32, #tpu.memory_space<vmem>>
      tpu.wait_dma2 semaphore(%arg28 : memref<!tpu.dma_semaphore, #tpu.memory_space<semaphore_mem>>) src(%dma_wait3A_581 : memref<128x128xf32, #tpu.memory_space<vmem>>) dst(%dma_wait3A_578 : memref<128x128xf32, #tpu.memory_space<hbm>>)
      %add3A_582 = arith.constant 3 : i32
      %add3A_583 = arith.addi %add3A_425, %add3A_582 : i32
      %add3A_584 = arith.constant 4 : i32
      %add3A_585 = arith.addi %add3A_583, %add3A_584 : i32
      %mul3A_586 = arith.constant 128 : i32
      %mul3A_587 = arith.muli %add3A_585, %mul3A_586 : i32
      %dma_start3A_588 = arith.constant 0 : i32
      %dma_start3A_589 = arith.constant 0 : i32
      %dma_start3A_590 = tpu.memref_slice %arg16[%dma_start3A_588, %dma_start3A_589] : memref<128x128xf32, #tpu.memory_space<vmem>> -> memref<128x128xf32, #tpu.memory_space<vmem>>
      %dma_start3A_591 = tpu.memref_slice %arg8[%mul3A_587] : memref<10000xi32, #tpu.memory_space<vmem>> -> memref<128xi32, #tpu.memory_space<vmem>>
      %dma_start3A_592 = arith.constant 0 : i32
      %dma_start3A_593 = arith.constant 0 : i32
      %dma_start3A_594 = tpu.memref_slice %arg12[%dma_start3A_592, %dma_start3A_593] : memref<16x128xf32, #tpu.memory_space<vmem_shared>> -> memref<16x128xf32, #tpu.memory_space<vmem_shared>>
      tpu.enqueue_indirect_dma source(%dma_start3A_594 : memref<16x128xf32, #tpu.memory_space<vmem_shared>>) target(%dma_start3A_590 : memref<128x128xf32, #tpu.memory_space<vmem>>) offsets(%dma_start3A_591 : memref<128xi32, #tpu.memory_space<vmem>>) semaphore(%arg22 : memref<!tpu.dma_semaphore, #tpu.memory_space<semaphore_mem>>)
      %dma_wait3A_595 = arith.constant 0 : i32
      %dma_wait3A_596 = arith.constant 0 : i32
      %dma_wait3A_597 = tpu.memref_slice %arg18[%dma_wait3A_595, %dma_wait3A_596] : memref<128x128xf32, #tpu.memory_space<vmem>> -> memref<128x128xf32, #tpu.memory_space<vmem>>
      %dma_wait3A_598 = arith.constant 0 : i32
      %dma_wait3A_599 = tpu.memref_slice %arg8[%dma_wait3A_598] : memref<10000xi32, #tpu.memory_space<vmem>> -> memref<128xi32, #tpu.memory_space<vmem>>
      %dma_wait3A_600 = arith.constant 0 : i32
      %dma_wait3A_601 = arith.constant 0 : i32
      %dma_wait3A_602 = tpu.memref_slice %arg12[%dma_wait3A_600, %dma_wait3A_601] : memref<16x128xf32, #tpu.memory_space<vmem_shared>> -> memref<16x128xf32, #tpu.memory_space<vmem_shared>>
      tpu.wait_indirect_dma semaphore(%arg24 : memref<!tpu.dma_semaphore, #tpu.memory_space<semaphore_mem>>) src(%dma_wait3A_602 : memref<16x128xf32, #tpu.memory_space<vmem_shared>>) dst(%dma_wait3A_597 : memref<128x128xf32, #tpu.memory_space<vmem>>)
      %add3A_603 = arith.constant 3 : i32
      %add3A_604 = arith.addi %add3A_425, %add3A_603 : i32
      %mul3A_605 = arith.constant 128 : i32
      %mul3A_606 = arith.muli %add3A_604, %mul3A_605 : i32
      %add3A_607 = arith.addi %mul3A_96, %mul3A_606 : i32
      %dma_start3A_608 = arith.constant 0 : i32
      %dma_start3A_609 = arith.constant 0 : i32
      %dma_start3A_610 = tpu.memref_slice %arg18[%dma_start3A_608, %dma_start3A_609] : memref<128x128xf32, #tpu.memory_space<vmem>> -> memref<128x128xf32, #tpu.memory_space<vmem>>
      %dma_start3A_611 = arith.constant 0 : i32
      %dma_start3A_612 = tpu.memref_slice %arg7[%add3A_607, %dma_start3A_611] : memref<320000x128xf32, #tpu.memory_space<hbm>> -> memref<128x128xf32, #tpu.memory_space<hbm>>
      %dma_start3A_613 = arith.constant 0 : i32
      %dma_start3A_614 = tpu.memref_slice %arg7[%add3A_607, %dma_start3A_613] : memref<320000x128xf32, #tpu.memory_space<hbm>> -> memref<128x128xf32, #tpu.memory_space<hbm>>
      %dma_start3A_615 = arith.constant 0 : i32
      %dma_start3A_616 = arith.constant 0 : i32
      %dma_start3A_617 = tpu.memref_slice %arg18[%dma_start3A_615, %dma_start3A_616] : memref<128x128xf32, #tpu.memory_space<vmem>> -> memref<128x128xf32, #tpu.memory_space<vmem>>
      tpu.enqueue_dma source(%dma_start3A_617 : memref<128x128xf32, #tpu.memory_space<vmem>>) target(%dma_start3A_614 : memref<128x128xf32, #tpu.memory_space<hbm>>) target_semaphore(%arg30 : memref<!tpu.dma_semaphore, #tpu.memory_space<semaphore_mem>>)
      %dma_wait3A_618 = arith.constant 0 : i32
      %dma_wait3A_619 = arith.constant 0 : i32
      %dma_wait3A_620 = tpu.memref_slice %arg17[%dma_wait3A_618, %dma_wait3A_619] : memref<128x128xf32, #tpu.memory_space<vmem>> -> memref<128x128xf32, #tpu.memory_space<vmem>>
      %dma_wait3A_621 = arith.constant 0 : i32
      %dma_wait3A_622 = arith.constant 0 : i32
      %dma_wait3A_623 = tpu.memref_slice %arg7[%dma_wait3A_621, %dma_wait3A_622] : memref<320000x128xf32, #tpu.memory_space<hbm>> -> memref<128x128xf32, #tpu.memory_space<hbm>>
      %dma_wait3A_624 = arith.constant 0 : i32
      %dma_wait3A_625 = arith.constant 0 : i32
      %dma_wait3A_626 = tpu.memref_slice %arg7[%dma_wait3A_624, %dma_wait3A_625] : memref<320000x128xf32, #tpu.memory_space<hbm>> -> memref<128x128xf32, #tpu.memory_space<hbm>>
      %dma_wait3A_627 = arith.constant 0 : i32
      %dma_wait3A_628 = arith.constant 0 : i32
      %dma_wait3A_629 = tpu.memref_slice %arg17[%dma_wait3A_627, %dma_wait3A_628] : memref<128x128xf32, #tpu.memory_space<vmem>> -> memref<128x128xf32, #tpu.memory_space<vmem>>
      tpu.wait_dma2 semaphore(%arg29 : memref<!tpu.dma_semaphore, #tpu.memory_space<semaphore_mem>>) src(%dma_wait3A_629 : memref<128x128xf32, #tpu.memory_space<vmem>>) dst(%dma_wait3A_626 : memref<128x128xf32, #tpu.memory_space<hbm>>)
      %add3A_630 = arith.constant 4 : i32
      %add3A_631 = arith.addi %add3A_425, %add3A_630 : i32
      %add3A_632 = arith.constant 4 : i32
      %add3A_633 = arith.addi %add3A_631, %add3A_632 : i32
      %mul3A_634 = arith.constant 128 : i32
      %mul3A_635 = arith.muli %add3A_633, %mul3A_634 : i32
      %dma_start3A_636 = arith.constant 0 : i32
      %dma_start3A_637 = arith.constant 0 : i32
      %dma_start3A_638 = tpu.memref_slice %arg17[%dma_start3A_636, %dma_start3A_637] : memref<128x128xf32, #tpu.memory_space<vmem>> -> memref<128x128xf32, #tpu.memory_space<vmem>>
      %dma_start3A_639 = tpu.memref_slice %arg8[%mul3A_635] : memref<10000xi32, #tpu.memory_space<vmem>> -> memref<128xi32, #tpu.memory_space<vmem>>
      %dma_start3A_640 = arith.constant 0 : i32
      %dma_start3A_641 = arith.constant 0 : i32
      %dma_start3A_642 = tpu.memref_slice %arg12[%dma_start3A_640, %dma_start3A_641] : memref<16x128xf32, #tpu.memory_space<vmem_shared>> -> memref<16x128xf32, #tpu.memory_space<vmem_shared>>
      tpu.enqueue_indirect_dma source(%dma_start3A_642 : memref<16x128xf32, #tpu.memory_space<vmem_shared>>) target(%dma_start3A_638 : memref<128x128xf32, #tpu.memory_space<vmem>>) offsets(%dma_start3A_639 : memref<128xi32, #tpu.memory_space<vmem>>) semaphore(%arg23 : memref<!tpu.dma_semaphore, #tpu.memory_space<semaphore_mem>>)
      %dma_wait3A_643 = arith.constant 0 : i32
      %dma_wait3A_644 = arith.constant 0 : i32
      %dma_wait3A_645 = tpu.memref_slice %arg13[%dma_wait3A_643, %dma_wait3A_644] : memref<128x128xf32, #tpu.memory_space<vmem>> -> memref<128x128xf32, #tpu.memory_space<vmem>>
      %dma_wait3A_646 = arith.constant 0 : i32
      %dma_wait3A_647 = tpu.memref_slice %arg8[%dma_wait3A_646] : memref<10000xi32, #tpu.memory_space<vmem>> -> memref<128xi32, #tpu.memory_space<vmem>>
      %dma_wait3A_648 = arith.constant 0 : i32
      %dma_wait3A_649 = arith.constant 0 : i32
      %dma_wait3A_650 = tpu.memref_slice %arg12[%dma_wait3A_648, %dma_wait3A_649] : memref<16x128xf32, #tpu.memory_space<vmem_shared>> -> memref<16x128xf32, #tpu.memory_space<vmem_shared>>
      tpu.wait_indirect_dma semaphore(%arg19 : memref<!tpu.dma_semaphore, #tpu.memory_space<semaphore_mem>>) src(%dma_wait3A_650 : memref<16x128xf32, #tpu.memory_space<vmem_shared>>) dst(%dma_wait3A_645 : memref<128x128xf32, #tpu.memory_space<vmem>>)
      %add3A_651 = arith.constant 4 : i32
      %add3A_652 = arith.addi %add3A_425, %add3A_651 : i32
      %mul3A_653 = arith.constant 128 : i32
      %mul3A_654 = arith.muli %add3A_652, %mul3A_653 : i32
      %add3A_655 = arith.addi %mul3A_96, %mul3A_654 : i32
      %dma_start3A_656 = arith.constant 0 : i32
      %dma_start3A_657 = arith.constant 0 : i32
      %dma_start3A_658 = tpu.memref_slice %arg13[%dma_start3A_656, %dma_start3A_657] : memref<128x128xf32, #tpu.memory_space<vmem>> -> memref<128x128xf32, #tpu.memory_space<vmem>>
      %dma_start3A_659 = arith.constant 0 : i32
      %dma_start3A_660 = tpu.memref_slice %arg7[%add3A_655, %dma_start3A_659] : memref<320000x128xf32, #tpu.memory_space<hbm>> -> memref<128x128xf32, #tpu.memory_space<hbm>>
      %dma_start3A_661 = arith.constant 0 : i32
      %dma_start3A_662 = tpu.memref_slice %arg7[%add3A_655, %dma_start3A_661] : memref<320000x128xf32, #tpu.memory_space<hbm>> -> memref<128x128xf32, #tpu.memory_space<hbm>>
      %dma_start3A_663 = arith.constant 0 : i32
      %dma_start3A_664 = arith.constant 0 : i32
      %dma_start3A_665 = tpu.memref_slice %arg13[%dma_start3A_663, %dma_start3A_664] : memref<128x128xf32, #tpu.memory_space<vmem>> -> memref<128x128xf32, #tpu.memory_space<vmem>>
      tpu.enqueue_dma source(%dma_start3A_665 : memref<128x128xf32, #tpu.memory_space<vmem>>) target(%dma_start3A_662 : memref<128x128xf32, #tpu.memory_space<hbm>>) target_semaphore(%arg25 : memref<!tpu.dma_semaphore, #tpu.memory_space<semaphore_mem>>)
      %dma_wait3A_666 = arith.constant 0 : i32
      %dma_wait3A_667 = arith.constant 0 : i32
      %dma_wait3A_668 = tpu.memref_slice %arg18[%dma_wait3A_666, %dma_wait3A_667] : memref<128x128xf32, #tpu.memory_space<vmem>> -> memref<128x128xf32, #tpu.memory_space<vmem>>
      %dma_wait3A_669 = arith.constant 0 : i32
      %dma_wait3A_670 = arith.constant 0 : i32
      %dma_wait3A_671 = tpu.memref_slice %arg7[%dma_wait3A_669, %dma_wait3A_670] : memref<320000x128xf32, #tpu.memory_space<hbm>> -> memref<128x128xf32, #tpu.memory_space<hbm>>
      %dma_wait3A_672 = arith.constant 0 : i32
      %dma_wait3A_673 = arith.constant 0 : i32
      %dma_wait3A_674 = tpu.memref_slice %arg7[%dma_wait3A_672, %dma_wait3A_673] : memref<320000x128xf32, #tpu.memory_space<hbm>> -> memref<128x128xf32, #tpu.memory_space<hbm>>
      %dma_wait3A_675 = arith.constant 0 : i32
      %dma_wait3A_676 = arith.constant 0 : i32
      %dma_wait3A_677 = tpu.memref_slice %arg18[%dma_wait3A_675, %dma_wait3A_676] : memref<128x128xf32, #tpu.memory_space<vmem>> -> memref<128x128xf32, #tpu.memory_space<vmem>>
      tpu.wait_dma2 semaphore(%arg30 : memref<!tpu.dma_semaphore, #tpu.memory_space<semaphore_mem>>) src(%dma_wait3A_677 : memref<128x128xf32, #tpu.memory_space<vmem>>) dst(%dma_wait3A_674 : memref<128x128xf32, #tpu.memory_space<hbm>>)
      %add3A_678 = arith.constant 5 : i32
      %add3A_679 = arith.addi %add3A_425, %add3A_678 : i32
      %add3A_680 = arith.constant 4 : i32
      %add3A_681 = arith.addi %add3A_679, %add3A_680 : i32
      %mul3A_682 = arith.constant 128 : i32
      %mul3A_683 = arith.muli %add3A_681, %mul3A_682 : i32
      %dma_start3A_684 = arith.constant 0 : i32
      %dma_start3A_685 = arith.constant 0 : i32
      %dma_start3A_686 = tpu.memref_slice %arg18[%dma_start3A_684, %dma_start3A_685] : memref<128x128xf32, #tpu.memory_space<vmem>> -> memref<128x128xf32, #tpu.memory_space<vmem>>
      %dma_start3A_687 = tpu.memref_slice %arg8[%mul3A_683] : memref<10000xi32, #tpu.memory_space<vmem>> -> memref<128xi32, #tpu.memory_space<vmem>>
      %dma_start3A_688 = arith.constant 0 : i32
      %dma_start3A_689 = arith.constant 0 : i32
      %dma_start3A_690 = tpu.memref_slice %arg12[%dma_start3A_688, %dma_start3A_689] : memref<16x128xf32, #tpu.memory_space<vmem_shared>> -> memref<16x128xf32, #tpu.memory_space<vmem_shared>>
      tpu.enqueue_indirect_dma source(%dma_start3A_690 : memref<16x128xf32, #tpu.memory_space<vmem_shared>>) target(%dma_start3A_686 : memref<128x128xf32, #tpu.memory_space<vmem>>) offsets(%dma_start3A_687 : memref<128xi32, #tpu.memory_space<vmem>>) semaphore(%arg24 : memref<!tpu.dma_semaphore, #tpu.memory_space<semaphore_mem>>)
      %dma_wait3A_691 = arith.constant 0 : i32
      %dma_wait3A_692 = arith.constant 0 : i32
      %dma_wait3A_693 = tpu.memref_slice %arg14[%dma_wait3A_691, %dma_wait3A_692] : memref<128x128xf32, #tpu.memory_space<vmem>> -> memref<128x128xf32, #tpu.memory_space<vmem>>
      %dma_wait3A_694 = arith.constant 0 : i32
      %dma_wait3A_695 = tpu.memref_slice %arg8[%dma_wait3A_694] : memref<10000xi32, #tpu.memory_space<vmem>> -> memref<128xi32, #tpu.memory_space<vmem>>
      %dma_wait3A_696 = arith.constant 0 : i32
      %dma_wait3A_697 = arith.constant 0 : i32
      %dma_wait3A_698 = tpu.memref_slice %arg12[%dma_wait3A_696, %dma_wait3A_697] : memref<16x128xf32, #tpu.memory_space<vmem_shared>> -> memref<16x128xf32, #tpu.memory_space<vmem_shared>>
      tpu.wait_indirect_dma semaphore(%arg20 : memref<!tpu.dma_semaphore, #tpu.memory_space<semaphore_mem>>) src(%dma_wait3A_698 : memref<16x128xf32, #tpu.memory_space<vmem_shared>>) dst(%dma_wait3A_693 : memref<128x128xf32, #tpu.memory_space<vmem>>)
      %add3A_699 = arith.constant 5 : i32
      %add3A_700 = arith.addi %add3A_425, %add3A_699 : i32
      %mul3A_701 = arith.constant 128 : i32
      %mul3A_702 = arith.muli %add3A_700, %mul3A_701 : i32
      %add3A_703 = arith.addi %mul3A_96, %mul3A_702 : i32
      %dma_start3A_704 = arith.constant 0 : i32
      %dma_start3A_705 = arith.constant 0 : i32
      %dma_start3A_706 = tpu.memref_slice %arg14[%dma_start3A_704, %dma_start3A_705] : memref<128x128xf32, #tpu.memory_space<vmem>> -> memref<128x128xf32, #tpu.memory_space<vmem>>
      %dma_start3A_707 = arith.constant 0 : i32
      %dma_start3A_708 = tpu.memref_slice %arg7[%add3A_703, %dma_start3A_707] : memref<320000x128xf32, #tpu.memory_space<hbm>> -> memref<128x128xf32, #tpu.memory_space<hbm>>
      %dma_start3A_709 = arith.constant 0 : i32
      %dma_start3A_710 = tpu.memref_slice %arg7[%add3A_703, %dma_start3A_709] : memref<320000x128xf32, #tpu.memory_space<hbm>> -> memref<128x128xf32, #tpu.memory_space<hbm>>
      %dma_start3A_711 = arith.constant 0 : i32
      %dma_start3A_712 = arith.constant 0 : i32
      %dma_start3A_713 = tpu.memref_slice %arg14[%dma_start3A_711, %dma_start3A_712] : memref<128x128xf32, #tpu.memory_space<vmem>> -> memref<128x128xf32, #tpu.memory_space<vmem>>
      tpu.enqueue_dma source(%dma_start3A_713 : memref<128x128xf32, #tpu.memory_space<vmem>>) target(%dma_start3A_710 : memref<128x128xf32, #tpu.memory_space<hbm>>) target_semaphore(%arg26 : memref<!tpu.dma_semaphore, #tpu.memory_space<semaphore_mem>>)
    }
    %scan3A_225 = arith.constant 12 : i32
    %dma_wait3A_226 = arith.constant 0 : i32
    %dma_wait3A_227 = arith.constant 0 : i32
    %dma_wait3A_228 = tpu.memref_slice %arg13[%dma_wait3A_226, %dma_wait3A_227] : memref<128x128xf32, #tpu.memory_space<vmem>> -> memref<128x128xf32, #tpu.memory_space<vmem>>
    %dma_wait3A_229 = arith.constant 0 : i32
    %dma_wait3A_230 = arith.constant 0 : i32
    %dma_wait3A_231 = tpu.memref_slice %arg6[%dma_wait3A_229, %dma_wait3A_230] : memref<10000x128xf32, #tpu.memory_space<hbm>> -> memref<128x128xf32, #tpu.memory_space<hbm>>
    %dma_wait3A_232 = arith.constant 0 : i32
    %dma_wait3A_233 = arith.constant 0 : i32
    %dma_wait3A_234 = tpu.memref_slice %arg6[%dma_wait3A_232, %dma_wait3A_233] : memref<10000x128xf32, #tpu.memory_space<hbm>> -> memref<128x128xf32, #tpu.memory_space<hbm>>
    %dma_wait3A_235 = arith.constant 0 : i32
    %dma_wait3A_236 = arith.constant 0 : i32
    %dma_wait3A_237 = tpu.memref_slice %arg13[%dma_wait3A_235, %dma_wait3A_236] : memref<128x128xf32, #tpu.memory_space<vmem>> -> memref<128x128xf32, #tpu.memory_space<vmem>>
    tpu.wait_dma2 semaphore(%arg25 : memref<!tpu.dma_semaphore, #tpu.memory_space<semaphore_mem>>) src(%dma_wait3A_237 : memref<128x128xf32, #tpu.memory_space<vmem>>) dst(%dma_wait3A_234 : memref<128x128xf32, #tpu.memory_space<hbm>>)
    %dma_start3A_238 = arith.constant 0 : i32
    %dma_start3A_239 = arith.constant 0 : i32
    %dma_start3A_240 = tpu.memref_slice %arg13[%dma_start3A_238, %dma_start3A_239] : memref<128x128xf32, #tpu.memory_space<vmem>> -> memref<16x128xf32, #tpu.memory_space<vmem>>
    %dma_start3A_241 = arith.constant 9984 : i32
    %dma_start3A_242 = tpu.memref_slice %arg8[%dma_start3A_241] : memref<10000xi32, #tpu.memory_space<vmem>> -> memref<16xi32, #tpu.memory_space<vmem>>
    %dma_start3A_243 = arith.constant 0 : i32
    %dma_start3A_244 = arith.constant 0 : i32
    %dma_start3A_245 = tpu.memref_slice %arg12[%dma_start3A_243, %dma_start3A_244] : memref<16x128xf32, #tpu.memory_space<vmem_shared>> -> memref<16x128xf32, #tpu.memory_space<vmem_shared>>
    tpu.enqueue_indirect_dma source(%dma_start3A_245 : memref<16x128xf32, #tpu.memory_space<vmem_shared>>) target(%dma_start3A_240 : memref<16x128xf32, #tpu.memory_space<vmem>>) offsets(%dma_start3A_242 : memref<16xi32, #tpu.memory_space<vmem>>) semaphore(%arg19 : memref<!tpu.dma_semaphore, #tpu.memory_space<semaphore_mem>>)
    %dma_wait3A_246 = arith.constant 0 : i32
    %dma_wait3A_247 = arith.constant 0 : i32
    %dma_wait3A_248 = tpu.memref_slice %arg15[%dma_wait3A_246, %dma_wait3A_247] : memref<128x128xf32, #tpu.memory_space<vmem>> -> memref<128x128xf32, #tpu.memory_space<vmem>>
    %dma_wait3A_249 = arith.constant 0 : i32
    %dma_wait3A_250 = tpu.memref_slice %arg8[%dma_wait3A_249] : memref<10000xi32, #tpu.memory_space<vmem>> -> memref<128xi32, #tpu.memory_space<vmem>>
    %dma_wait3A_251 = arith.constant 0 : i32
    %dma_wait3A_252 = arith.constant 0 : i32
    %dma_wait3A_253 = tpu.memref_slice %arg12[%dma_wait3A_251, %dma_wait3A_252] : memref<16x128xf32, #tpu.memory_space<vmem_shared>> -> memref<16x128xf32, #tpu.memory_space<vmem_shared>>
    tpu.wait_indirect_dma semaphore(%arg21 : memref<!tpu.dma_semaphore, #tpu.memory_space<semaphore_mem>>) src(%dma_wait3A_253 : memref<16x128xf32, #tpu.memory_space<vmem_shared>>) dst(%dma_wait3A_248 : memref<128x128xf32, #tpu.memory_space<vmem>>)
    %add3A_254 = arith.constant 9472 : i32
    %add3A_255 = arith.addi %mul3A_96, %add3A_254 : i32
    %dma_start3A_256 = arith.constant 0 : i32
    %dma_start3A_257 = arith.constant 0 : i32
    %dma_start3A_258 = tpu.memref_slice %arg15[%dma_start3A_256, %dma_start3A_257] : memref<128x128xf32, #tpu.memory_space<vmem>> -> memref<128x128xf32, #tpu.memory_space<vmem>>
    %dma_start3A_259 = arith.constant 0 : i32
    %dma_start3A_260 = tpu.memref_slice %arg7[%add3A_255, %dma_start3A_259] : memref<320000x128xf32, #tpu.memory_space<hbm>> -> memref<128x128xf32, #tpu.memory_space<hbm>>
    %dma_start3A_261 = arith.constant 0 : i32
    %dma_start3A_262 = tpu.memref_slice %arg7[%add3A_255, %dma_start3A_261] : memref<320000x128xf32, #tpu.memory_space<hbm>> -> memref<128x128xf32, #tpu.memory_space<hbm>>
    %dma_start3A_263 = arith.constant 0 : i32
    %dma_start3A_264 = arith.constant 0 : i32
    %dma_start3A_265 = tpu.memref_slice %arg15[%dma_start3A_263, %dma_start3A_264] : memref<128x128xf32, #tpu.memory_space<vmem>> -> memref<128x128xf32, #tpu.memory_space<vmem>>
    tpu.enqueue_dma source(%dma_start3A_265 : memref<128x128xf32, #tpu.memory_space<vmem>>) target(%dma_start3A_262 : memref<128x128xf32, #tpu.memory_space<hbm>>) target_semaphore(%arg27 : memref<!tpu.dma_semaphore, #tpu.memory_space<semaphore_mem>>)
    %dma_wait3A_266 = arith.constant 0 : i32
    %dma_wait3A_267 = arith.constant 0 : i32
    %dma_wait3A_268 = tpu.memref_slice %arg16[%dma_wait3A_266, %dma_wait3A_267] : memref<128x128xf32, #tpu.memory_space<vmem>> -> memref<128x128xf32, #tpu.memory_space<vmem>>
    %dma_wait3A_269 = arith.constant 0 : i32
    %dma_wait3A_270 = tpu.memref_slice %arg8[%dma_wait3A_269] : memref<10000xi32, #tpu.memory_space<vmem>> -> memref<128xi32, #tpu.memory_space<vmem>>
    %dma_wait3A_271 = arith.constant 0 : i32
    %dma_wait3A_272 = arith.constant 0 : i32
    %dma_wait3A_273 = tpu.memref_slice %arg12[%dma_wait3A_271, %dma_wait3A_272] : memref<16x128xf32, #tpu.memory_space<vmem_shared>> -> memref<16x128xf32, #tpu.memory_space<vmem_shared>>
    tpu.wait_indirect_dma semaphore(%arg22 : memref<!tpu.dma_semaphore, #tpu.memory_space<semaphore_mem>>) src(%dma_wait3A_273 : memref<16x128xf32, #tpu.memory_space<vmem_shared>>) dst(%dma_wait3A_268 : memref<128x128xf32, #tpu.memory_space<vmem>>)
    %add3A_274 = arith.constant 9600 : i32
    %add3A_275 = arith.addi %mul3A_96, %add3A_274 : i32
    %dma_start3A_276 = arith.constant 0 : i32
    %dma_start3A_277 = arith.constant 0 : i32
    %dma_start3A_278 = tpu.memref_slice %arg16[%dma_start3A_276, %dma_start3A_277] : memref<128x128xf32, #tpu.memory_space<vmem>> -> memref<128x128xf32, #tpu.memory_space<vmem>>
    %dma_start3A_279 = arith.constant 0 : i32
    %dma_start3A_280 = tpu.memref_slice %arg7[%add3A_275, %dma_start3A_279] : memref<320000x128xf32, #tpu.memory_space<hbm>> -> memref<128x128xf32, #tpu.memory_space<hbm>>
    %dma_start3A_281 = arith.constant 0 : i32
    %dma_start3A_282 = tpu.memref_slice %arg7[%add3A_275, %dma_start3A_281] : memref<320000x128xf32, #tpu.memory_space<hbm>> -> memref<128x128xf32, #tpu.memory_space<hbm>>
    %dma_start3A_283 = arith.constant 0 : i32
    %dma_start3A_284 = arith.constant 0 : i32
    %dma_start3A_285 = tpu.memref_slice %arg16[%dma_start3A_283, %dma_start3A_284] : memref<128x128xf32, #tpu.memory_space<vmem>> -> memref<128x128xf32, #tpu.memory_space<vmem>>
    tpu.enqueue_dma source(%dma_start3A_285 : memref<128x128xf32, #tpu.memory_space<vmem>>) target(%dma_start3A_282 : memref<128x128xf32, #tpu.memory_space<hbm>>) target_semaphore(%arg28 : memref<!tpu.dma_semaphore, #tpu.memory_space<semaphore_mem>>)
    %dma_wait3A_286 = arith.constant 0 : i32
    %dma_wait3A_287 = arith.constant 0 : i32
    %dma_wait3A_288 = tpu.memref_slice %arg17[%dma_wait3A_286, %dma_wait3A_287] : memref<128x128xf32, #tpu.memory_space<vmem>> -> memref<128x128xf32, #tpu.memory_space<vmem>>
    %dma_wait3A_289 = arith.constant 0 : i32
    %dma_wait3A_290 = tpu.memref_slice %arg8[%dma_wait3A_289] : memref<10000xi32, #tpu.memory_space<vmem>> -> memref<128xi32, #tpu.memory_space<vmem>>
    %dma_wait3A_291 = arith.constant 0 : i32
    %dma_wait3A_292 = arith.constant 0 : i32
    %dma_wait3A_293 = tpu.memref_slice %arg12[%dma_wait3A_291, %dma_wait3A_292] : memref<16x128xf32, #tpu.memory_space<vmem_shared>> -> memref<16x128xf32, #tpu.memory_space<vmem_shared>>
    tpu.wait_indirect_dma semaphore(%arg23 : memref<!tpu.dma_semaphore, #tpu.memory_space<semaphore_mem>>) src(%dma_wait3A_293 : memref<16x128xf32, #tpu.memory_space<vmem_shared>>) dst(%dma_wait3A_288 : memref<128x128xf32, #tpu.memory_space<vmem>>)
    %add3A_294 = arith.constant 9728 : i32
    %add3A_295 = arith.addi %mul3A_96, %add3A_294 : i32
    %dma_start3A_296 = arith.constant 0 : i32
    %dma_start3A_297 = arith.constant 0 : i32
    %dma_start3A_298 = tpu.memref_slice %arg17[%dma_start3A_296, %dma_start3A_297] : memref<128x128xf32, #tpu.memory_space<vmem>> -> memref<128x128xf32, #tpu.memory_space<vmem>>
    %dma_start3A_299 = arith.constant 0 : i32
    %dma_start3A_300 = tpu.memref_slice %arg7[%add3A_295, %dma_start3A_299] : memref<320000x128xf32, #tpu.memory_space<hbm>> -> memref<128x128xf32, #tpu.memory_space<hbm>>
    %dma_start3A_301 = arith.constant 0 : i32
    %dma_start3A_302 = tpu.memref_slice %arg7[%add3A_295, %dma_start3A_301] : memref<320000x128xf32, #tpu.memory_space<hbm>> -> memref<128x128xf32, #tpu.memory_space<hbm>>
    %dma_start3A_303 = arith.constant 0 : i32
    %dma_start3A_304 = arith.constant 0 : i32
    %dma_start3A_305 = tpu.memref_slice %arg17[%dma_start3A_303, %dma_start3A_304] : memref<128x128xf32, #tpu.memory_space<vmem>> -> memref<128x128xf32, #tpu.memory_space<vmem>>
    tpu.enqueue_dma source(%dma_start3A_305 : memref<128x128xf32, #tpu.memory_space<vmem>>) target(%dma_start3A_302 : memref<128x128xf32, #tpu.memory_space<hbm>>) target_semaphore(%arg29 : memref<!tpu.dma_semaphore, #tpu.memory_space<semaphore_mem>>)
    %dma_wait3A_306 = arith.constant 0 : i32
    %dma_wait3A_307 = arith.constant 0 : i32
    %dma_wait3A_308 = tpu.memref_slice %arg18[%dma_wait3A_306, %dma_wait3A_307] : memref<128x128xf32, #tpu.memory_space<vmem>> -> memref<128x128xf32, #tpu.memory_space<vmem>>
    %dma_wait3A_309 = arith.constant 0 : i32
    %dma_wait3A_310 = tpu.memref_slice %arg8[%dma_wait3A_309] : memref<10000xi32, #tpu.memory_space<vmem>> -> memref<128xi32, #tpu.memory_space<vmem>>
    %dma_wait3A_311 = arith.constant 0 : i32
    %dma_wait3A_312 = arith.constant 0 : i32
    %dma_wait3A_313 = tpu.memref_slice %arg12[%dma_wait3A_311, %dma_wait3A_312] : memref<16x128xf32, #tpu.memory_space<vmem_shared>> -> memref<16x128xf32, #tpu.memory_space<vmem_shared>>
    tpu.wait_indirect_dma semaphore(%arg24 : memref<!tpu.dma_semaphore, #tpu.memory_space<semaphore_mem>>) src(%dma_wait3A_313 : memref<16x128xf32, #tpu.memory_space<vmem_shared>>) dst(%dma_wait3A_308 : memref<128x128xf32, #tpu.memory_space<vmem>>)
    %add3A_314 = arith.constant 9856 : i32
    %add3A_315 = arith.addi %mul3A_96, %add3A_314 : i32
    %dma_start3A_316 = arith.constant 0 : i32
    %dma_start3A_317 = arith.constant 0 : i32
    %dma_start3A_318 = tpu.memref_slice %arg18[%dma_start3A_316, %dma_start3A_317] : memref<128x128xf32, #tpu.memory_space<vmem>> -> memref<128x128xf32, #tpu.memory_space<vmem>>
    %dma_start3A_319 = arith.constant 0 : i32
    %dma_start3A_320 = tpu.memref_slice %arg7[%add3A_315, %dma_start3A_319] : memref<320000x128xf32, #tpu.memory_space<hbm>> -> memref<128x128xf32, #tpu.memory_space<hbm>>
    %dma_start3A_321 = arith.constant 0 : i32
    %dma_start3A_322 = tpu.memref_slice %arg7[%add3A_315, %dma_start3A_321] : memref<320000x128xf32, #tpu.memory_space<hbm>> -> memref<128x128xf32, #tpu.memory_space<hbm>>
    %dma_start3A_323 = arith.constant 0 : i32
    %dma_start3A_324 = arith.constant 0 : i32
    %dma_start3A_325 = tpu.memref_slice %arg18[%dma_start3A_323, %dma_start3A_324] : memref<128x128xf32, #tpu.memory_space<vmem>> -> memref<128x128xf32, #tpu.memory_space<vmem>>
    tpu.enqueue_dma source(%dma_start3A_325 : memref<128x128xf32, #tpu.memory_space<vmem>>) target(%dma_start3A_322 : memref<128x128xf32, #tpu.memory_space<hbm>>) target_semaphore(%arg30 : memref<!tpu.dma_semaphore, #tpu.memory_space<semaphore_mem>>)
    %dma_wait3A_326 = arith.constant 0 : i32
    %dma_wait3A_327 = arith.constant 0 : i32
    %dma_wait3A_328 = tpu.memref_slice %arg13[%dma_wait3A_326, %dma_wait3A_327] : memref<128x128xf32, #tpu.memory_space<vmem>> -> memref<16x128xf32, #tpu.memory_space<vmem>>
    %dma_wait3A_329 = arith.constant 0 : i32
    %dma_wait3A_330 = tpu.memref_slice %arg8[%dma_wait3A_329] : memref<10000xi32, #tpu.memory_space<vmem>> -> memref<16xi32, #tpu.memory_space<vmem>>
    %dma_wait3A_331 = arith.constant 0 : i32
    %dma_wait3A_332 = arith.constant 0 : i32
    %dma_wait3A_333 = tpu.memref_slice %arg12[%dma_wait3A_331, %dma_wait3A_332] : memref<16x128xf32, #tpu.memory_space<vmem_shared>> -> memref<16x128xf32, #tpu.memory_space<vmem_shared>>
    tpu.wait_indirect_dma semaphore(%arg19 : memref<!tpu.dma_semaphore, #tpu.memory_space<semaphore_mem>>) src(%dma_wait3A_333 : memref<16x128xf32, #tpu.memory_space<vmem_shared>>) dst(%dma_wait3A_328 : memref<16x128xf32, #tpu.memory_space<vmem>>)
    %add3A_334 = arith.constant 9984 : i32
    %add3A_335 = arith.addi %mul3A_96, %add3A_334 : i32
    %dma_start3A_336 = arith.constant 0 : i32
    %dma_start3A_337 = arith.constant 0 : i32
    %dma_start3A_338 = tpu.memref_slice %arg13[%dma_start3A_336, %dma_start3A_337] : memref<128x128xf32, #tpu.memory_space<vmem>> -> memref<16x128xf32, #tpu.memory_space<vmem>>
    %dma_start3A_339 = arith.constant 0 : i32
    %dma_start3A_340 = tpu.memref_slice %arg7[%add3A_335, %dma_start3A_339] : memref<320000x128xf32, #tpu.memory_space<hbm>> -> memref<16x128xf32, #tpu.memory_space<hbm>>
    %dma_start3A_341 = arith.constant 0 : i32
    %dma_start3A_342 = tpu.memref_slice %arg7[%add3A_335, %dma_start3A_341] : memref<320000x128xf32, #tpu.memory_space<hbm>> -> memref<16x128xf32, #tpu.memory_space<hbm>>
    %dma_start3A_343 = arith.constant 0 : i32
    %dma_start3A_344 = arith.constant 0 : i32
    %dma_start3A_345 = tpu.memref_slice %arg13[%dma_start3A_343, %dma_start3A_344] : memref<128x128xf32, #tpu.memory_space<vmem>> -> memref<16x128xf32, #tpu.memory_space<vmem>>
    tpu.enqueue_dma source(%dma_start3A_345 : memref<16x128xf32, #tpu.memory_space<vmem>>) target(%dma_start3A_342 : memref<16x128xf32, #tpu.memory_space<hbm>>) target_semaphore(%arg25 : memref<!tpu.dma_semaphore, #tpu.memory_space<semaphore_mem>>)
    %dma_wait3A_346 = arith.constant 0 : i32
    %dma_wait3A_347 = arith.constant 0 : i32
    %dma_wait3A_348 = tpu.memref_slice %arg14[%dma_wait3A_346, %dma_wait3A_347] : memref<128x128xf32, #tpu.memory_space<vmem>> -> memref<128x128xf32, #tpu.memory_space<vmem>>
    %dma_wait3A_349 = arith.constant 0 : i32
    %dma_wait3A_350 = arith.constant 0 : i32
    %dma_wait3A_351 = tpu.memref_slice %arg6[%dma_wait3A_349, %dma_wait3A_350] : memref<10000x128xf32, #tpu.memory_space<hbm>> -> memref<128x128xf32, #tpu.memory_space<hbm>>
    %dma_wait3A_352 = arith.constant 0 : i32
    %dma_wait3A_353 = arith.constant 0 : i32
    %dma_wait3A_354 = tpu.memref_slice %arg6[%dma_wait3A_352, %dma_wait3A_353] : memref<10000x128xf32, #tpu.memory_space<hbm>> -> memref<128x128xf32, #tpu.memory_space<hbm>>
    %dma_wait3A_355 = arith.constant 0 : i32
    %dma_wait3A_356 = arith.constant 0 : i32
    %dma_wait3A_357 = tpu.memref_slice %arg14[%dma_wait3A_355, %dma_wait3A_356] : memref<128x128xf32, #tpu.memory_space<vmem>> -> memref<128x128xf32, #tpu.memory_space<vmem>>
    tpu.wait_dma2 semaphore(%arg26 : memref<!tpu.dma_semaphore, #tpu.memory_space<semaphore_mem>>) src(%dma_wait3A_357 : memref<128x128xf32, #tpu.memory_space<vmem>>) dst(%dma_wait3A_354 : memref<128x128xf32, #tpu.memory_space<hbm>>)
    %dma_wait3A_358 = arith.constant 0 : i32
    %dma_wait3A_359 = arith.constant 0 : i32
    %dma_wait3A_360 = tpu.memref_slice %arg15[%dma_wait3A_358, %dma_wait3A_359] : memref<128x128xf32, #tpu.memory_space<vmem>> -> memref<128x128xf32, #tpu.memory_space<vmem>>
    %dma_wait3A_361 = arith.constant 0 : i32
    %dma_wait3A_362 = arith.constant 0 : i32
    %dma_wait3A_363 = tpu.memref_slice %arg6[%dma_wait3A_361, %dma_wait3A_362] : memref<10000x128xf32, #tpu.memory_space<hbm>> -> memref<128x128xf32, #tpu.memory_space<hbm>>
    %dma_wait3A_364 = arith.constant 0 : i32
    %dma_wait3A_365 = arith.constant 0 : i32
    %dma_wait3A_366 = tpu.memref_slice %arg6[%dma_wait3A_364, %dma_wait3A_365] : memref<10000x128xf32, #tpu.memory_space<hbm>> -> memref<128x128xf32, #tpu.memory_space<hbm>>
    %dma_wait3A_367 = arith.constant 0 : i32
    %dma_wait3A_368 = arith.constant 0 : i32
    %dma_wait3A_369 = tpu.memref_slice %arg15[%dma_wait3A_367, %dma_wait3A_368] : memref<128x128xf32, #tpu.memory_space<vmem>> -> memref<128x128xf32, #tpu.memory_space<vmem>>
    tpu.wait_dma2 semaphore(%arg27 : memref<!tpu.dma_semaphore, #tpu.memory_space<semaphore_mem>>) src(%dma_wait3A_369 : memref<128x128xf32, #tpu.memory_space<vmem>>) dst(%dma_wait3A_366 : memref<128x128xf32, #tpu.memory_space<hbm>>)
    %dma_wait3A_370 = arith.constant 0 : i32
    %dma_wait3A_371 = arith.constant 0 : i32
    %dma_wait3A_372 = tpu.memref_slice %arg16[%dma_wait3A_370, %dma_wait3A_371] : memref<128x128xf32, #tpu.memory_space<vmem>> -> memref<128x128xf32, #tpu.memory_space<vmem>>
    %dma_wait3A_373 = arith.constant 0 : i32
    %dma_wait3A_374 = arith.constant 0 : i32
    %dma_wait3A_375 = tpu.memref_slice %arg6[%dma_wait3A_373, %dma_wait3A_374] : memref<10000x128xf32, #tpu.memory_space<hbm>> -> memref<128x128xf32, #tpu.memory_space<hbm>>
    %dma_wait3A_376 = arith.constant 0 : i32
    %dma_wait3A_377 = arith.constant 0 : i32
    %dma_wait3A_378 = tpu.memref_slice %arg6[%dma_wait3A_376, %dma_wait3A_377] : memref<10000x128xf32, #tpu.memory_space<hbm>> -> memref<128x128xf32, #tpu.memory_space<hbm>>
    %dma_wait3A_379 = arith.constant 0 : i32
    %dma_wait3A_380 = arith.constant 0 : i32
    %dma_wait3A_381 = tpu.memref_slice %arg16[%dma_wait3A_379, %dma_wait3A_380] : memref<128x128xf32, #tpu.memory_space<vmem>> -> memref<128x128xf32, #tpu.memory_space<vmem>>
    tpu.wait_dma2 semaphore(%arg28 : memref<!tpu.dma_semaphore, #tpu.memory_space<semaphore_mem>>) src(%dma_wait3A_381 : memref<128x128xf32, #tpu.memory_space<vmem>>) dst(%dma_wait3A_378 : memref<128x128xf32, #tpu.memory_space<hbm>>)
    %dma_wait3A_382 = arith.constant 0 : i32
    %dma_wait3A_383 = arith.constant 0 : i32
    %dma_wait3A_384 = tpu.memref_slice %arg17[%dma_wait3A_382, %dma_wait3A_383] : memref<128x128xf32, #tpu.memory_space<vmem>> -> memref<128x128xf32, #tpu.memory_space<vmem>>
    %dma_wait3A_385 = arith.constant 0 : i32
    %dma_wait3A_386 = arith.constant 0 : i32
    %dma_wait3A_387 = tpu.memref_slice %arg6[%dma_wait3A_385, %dma_wait3A_386] : memref<10000x128xf32, #tpu.memory_space<hbm>> -> memref<128x128xf32, #tpu.memory_space<hbm>>
    %dma_wait3A_388 = arith.constant 0 : i32
    %dma_wait3A_389 = arith.constant 0 : i32
    %dma_wait3A_390 = tpu.memref_slice %arg6[%dma_wait3A_388, %dma_wait3A_389] : memref<10000x128xf32, #tpu.memory_space<hbm>> -> memref<128x128xf32, #tpu.memory_space<hbm>>
    %dma_wait3A_391 = arith.constant 0 : i32
    %dma_wait3A_392 = arith.constant 0 : i32
    %dma_wait3A_393 = tpu.memref_slice %arg17[%dma_wait3A_391, %dma_wait3A_392] : memref<128x128xf32, #tpu.memory_space<vmem>> -> memref<128x128xf32, #tpu.memory_space<vmem>>
    tpu.wait_dma2 semaphore(%arg29 : memref<!tpu.dma_semaphore, #tpu.memory_space<semaphore_mem>>) src(%dma_wait3A_393 : memref<128x128xf32, #tpu.memory_space<vmem>>) dst(%dma_wait3A_390 : memref<128x128xf32, #tpu.memory_space<hbm>>)
    %dma_wait3A_394 = arith.constant 0 : i32
    %dma_wait3A_395 = arith.constant 0 : i32
    %dma_wait3A_396 = tpu.memref_slice %arg18[%dma_wait3A_394, %dma_wait3A_395] : memref<128x128xf32, #tpu.memory_space<vmem>> -> memref<128x128xf32, #tpu.memory_space<vmem>>
    %dma_wait3A_397 = arith.constant 0 : i32
    %dma_wait3A_398 = arith.constant 0 : i32
    %dma_wait3A_399 = tpu.memref_slice %arg6[%dma_wait3A_397, %dma_wait3A_398] : memref<10000x128xf32, #tpu.memory_space<hbm>> -> memref<128x128xf32, #tpu.memory_space<hbm>>
    %dma_wait3A_400 = arith.constant 0 : i32
    %dma_wait3A_401 = arith.constant 0 : i32
    %dma_wait3A_402 = tpu.memref_slice %arg6[%dma_wait3A_400, %dma_wait3A_401] : memref<10000x128xf32, #tpu.memory_space<hbm>> -> memref<128x128xf32, #tpu.memory_space<hbm>>
    %dma_wait3A_403 = arith.constant 0 : i32
    %dma_wait3A_404 = arith.constant 0 : i32
    %dma_wait3A_405 = tpu.memref_slice %arg18[%dma_wait3A_403, %dma_wait3A_404] : memref<128x128xf32, #tpu.memory_space<vmem>> -> memref<128x128xf32, #tpu.memory_space<vmem>>
    tpu.wait_dma2 semaphore(%arg30 : memref<!tpu.dma_semaphore, #tpu.memory_space<semaphore_mem>>) src(%dma_wait3A_405 : memref<128x128xf32, #tpu.memory_space<vmem>>) dst(%dma_wait3A_402 : memref<128x128xf32, #tpu.memory_space<hbm>>)
    %dma_wait3A_406 = arith.constant 0 : i32
    %dma_wait3A_407 = arith.constant 0 : i32
    %dma_wait3A_408 = tpu.memref_slice %arg13[%dma_wait3A_406, %dma_wait3A_407] : memref<128x128xf32, #tpu.memory_space<vmem>> -> memref<16x128xf32, #tpu.memory_space<vmem>>
    %dma_wait3A_409 = arith.constant 0 : i32
    %dma_wait3A_410 = arith.constant 0 : i32
    %dma_wait3A_411 = tpu.memref_slice %arg6[%dma_wait3A_409, %dma_wait3A_410] : memref<10000x128xf32, #tpu.memory_space<hbm>> -> memref<16x128xf32, #tpu.memory_space<hbm>>
    %dma_wait3A_412 = arith.constant 0 : i32
    %dma_wait3A_413 = arith.constant 0 : i32
    %dma_wait3A_414 = tpu.memref_slice %arg6[%dma_wait3A_412, %dma_wait3A_413] : memref<10000x128xf32, #tpu.memory_space<hbm>> -> memref<16x128xf32, #tpu.memory_space<hbm>>
    %dma_wait3A_415 = arith.constant 0 : i32
    %dma_wait3A_416 = arith.constant 0 : i32
    %dma_wait3A_417 = tpu.memref_slice %arg13[%dma_wait3A_415, %dma_wait3A_416] : memref<128x128xf32, #tpu.memory_space<vmem>> -> memref<16x128xf32, #tpu.memory_space<vmem>>
    tpu.wait_dma2 semaphore(%arg25 : memref<!tpu.dma_semaphore, #tpu.memory_space<semaphore_mem>>) src(%dma_wait3A_417 : memref<16x128xf32, #tpu.memory_space<vmem>>) dst(%dma_wait3A_414 : memref<16x128xf32, #tpu.memory_space<hbm>>)
    %convert_element_type3A_418 = arith.extui %eq3A_1 : i1 to i32
    %cond3A_419 = arith.constant 0 : i32
    %cond3A_420 = arith.cmpi ne, %convert_element_type3A_418, %cond3A_419 : i32
    scf.if %cond3A_420 {
      %dma_wait3A_421 = arith.constant 9984 : i32
      %dma_wait3A_422 = arith.constant 0 : i32
      %dma_wait3A_423 = tpu.memref_slice %arg6[%dma_wait3A_421, %dma_wait3A_422] : memref<10000x128xf32, #tpu.memory_space<hbm>> -> memref<16x128xf32, #tpu.memory_space<hbm>>
      %dma_wait3A_424 = arith.constant 9984 : i32
      %dma_wait3A_425 = arith.constant 0 : i32
      %dma_wait3A_426 = tpu.memref_slice %arg6[%dma_wait3A_424, %dma_wait3A_425] : memref<10000x128xf32, #tpu.memory_space<hbm>> -> memref<16x128xf32, #tpu.memory_space<hbm>>
      tpu.wait_dma2 semaphore(%arg32 : memref<!tpu.dma_semaphore, #tpu.memory_space<semaphore_mem>>) src(%arg10 : memref<16x128xf32, #tpu.memory_space<vmem>>) dst(%dma_wait3A_426 : memref<16x128xf32, #tpu.memory_space<hbm>>)
    } else {
    }
    return
  }
}

module attributes {stable_mosaic.version = 14 : i64} {
  func.func @_tc_body(%arg0: i32, %arg1: memref<1x1x16000xi32, #tpu.memory_space<vmem>>, %arg2: memref<16x128xf32, #tpu.memory_space<vmem>>, %arg3: memref<16000x128xf32, #tpu.memory_space<vmem>>) attributes {dimension_semantics = [#tpu.dimension_semantics<arbitrary>], iteration_bounds = array<i64: 20>, scalar_prefetch = 0 : i64, scratch_operands = 0 : i64, tpu.core_type = #tpu.core_type<tc>, window_params = [{transform_indices = @transform_0, window_bounds = array<i64: 1, 1, 16000>}, {pipeline_mode = #tpu.pipeline_mode<synchronous>, transform_indices = @transform_1, window_bounds = array<i64: 16, 128>}, {transform_indices = @transform_2, window_bounds = array<i64: 16000, 128>}]} {
    %get3A = arith.constant 0 : index
    %get3A_0 = arith.constant 0 : index
    %get3A_1 = arith.constant 0 : index
    %get3A_2 = vector.load %arg1[%get3A, %get3A_0, %get3A_1] : memref<1x1x16000xi32, #tpu.memory_space<vmem>>, vector<1x1x16000xi32>
    %get3A_3 = vector.shape_cast %get3A_2 : vector<1x1x16000xi32> to vector<16000xi32>
    %broadcast_in_dim3A = vector.shape_cast %get3A_3 : vector<16000xi32> to vector<16000x1xi32>
    %iota3A = tpu.iota {dimensions = array<i32: 1>} : vector<16000x16xi32>
    %eq3A = vector.broadcast %broadcast_in_dim3A : vector<16000x1xi32> to vector<16000x16xi32>
    %eq3A_4 = arith.cmpi eq, %eq3A, %iota3A : vector<16000x16xi32>
    %convert_element_type3A = arith.extui %eq3A_4 : vector<16000x16xi1> to vector<16000x16xi32>
    %convert_element_type3A_5 = arith.sitofp %convert_element_type3A : vector<16000x16xi32> to vector<16000x16xf32>
    %get3A_6 = arith.constant 0 : index
    %get3A_7 = arith.constant 0 : index
    %get3A_8 = vector.load %arg2[%get3A_6, %get3A_7] : memref<16x128xf32, #tpu.memory_space<vmem>>, vector<16x128xf32>
    %dot_general3A = arith.constant dense<0.000000e+00> : vector<16000x128xf32>
    %dot_general3A_9 = tpu.matmul %convert_element_type3A_5, %get3A_8, %dot_general3A {dimension_numbers = #tpu.dot_dimension_numbers<[1], [0], [0], [1], [0, 0, 1, 1], [], []>, transpose_lhs_hint = false} : vector<16000x16xf32>, vector<16x128xf32>, vector<16000x128xf32> -> vector<16000x128xf32>
    %swap3A = arith.constant 0 : index
    %swap3A_10 = arith.constant 0 : index
    %swap3A_11 = vector.load %arg3[%swap3A, %swap3A_10] : memref<16000x128xf32, #tpu.memory_space<vmem>>, vector<16000x128xf32>
    tpu.vector_store %arg3[%swap3A, %swap3A_10], %dot_general3A_9 {strides = array<i32>} : memref<16000x128xf32, #tpu.memory_space<vmem>>, vector<16000x128xf32>,
    return
  }
  func.func @transform_0(%arg0: i32) -> (i32, i32, i32) {
    %c0_i32 = arith.constant 0 : i32
    %c0_i32_0 = arith.constant 0 : i32
    %c0_i32_1 = arith.constant 0 : i32
    return %arg0, %c0_i32, %c0_i32_0 : i32, i32, i32
  }
  func.func @transform_1(%arg0: i32) -> (i32, i32) {
    %c0_i32 = arith.constant 0 : i32
    %c0_i32_0 = arith.constant 0 : i32
    %c0_i32_1 = arith.constant 0 : i32
    return %c0_i32, %c0_i32_0 : i32, i32
  }
  func.func @transform_2(%arg0: i32) -> (i32, i32) {
    %c0_i32 = arith.constant 0 : i32
    %c0_i32_0 = arith.constant 0 : i32
    return %arg0, %c0_i32 : i32, i32
  }
}

</mosaic_0001>

<sc_bundles>
// kernel: kernel.4.cloned.1.call-start
scs
__scs_entry_jumppad:
0x0: {  	(pc) =	sbr.rel $0x88, $3  }
0x1: {  	(tag) =	ssettag $0x0;
	lr =	simm.s32 $0x1  }
0x2: {  	[smem:$0x3F9B] =	sst lr;
	_ =	strace $0xD0000000  }
0x3: {  	_ = 	snop  }
0x4: {  	_ = 	snop  }
0x5: {  	_ = 	snop  }
0x6: {  	_ = 	snop  }
0x7: {  	_ = 	snop  }
__scs_overlays_trampoline_lowered:
0x8: {  	[smem:$0x3FAA] =	sst s0  }
0x9: {  	[smem:$0x3FAB] =	sst s1  }
0xa: {  	[smem:$0x3FAC] =	sst s2  }
0xb: {  	[smem:$0x3FAD] =	sst s3  }
0xc: {  	[smem:$0x3FAE] =	sst s4  }
0xd: {  	[smem:$0x3FAF] =	sst s5  }
0xe: {  	[smem:$0x3FB0] =	sst s6  }
0xf: {  	[smem:$0x3FB1] =	sst s7  }
0x10: {  	[smem:$0x3FB2] =	sst s8  }
0x11: {  	[smem:$0x3FB3] =	sst s9;
	s0 =	simm.s32 @!p0 $0x0  }
0x12: {  	s1 =	sld [smem:$0x3F99];
	s0 =	simm.s32 @p0 $0x1  }
0x13: {  	[smem:$0x3FB4] =	sst s0;
	s0 =	simm.s32 @!p1 $0x0  }
0x14: {  	s2 =	sld [smem:$0x3F98];
	s0 =	simm.s32 @p1 $0x1  }
0x15: {  	[smem:$0x3FB5] =	sst s0;
	s0 =	simm.s32 @!p2 $0x0  }
0x16: {  	s3 =	sld [smem:$0x3FDB];
	s0 =	simm.s32 @p2 $0x1  }
0x17: {  	s4 =	simm.s32 $0x1BF5;
	[smem:$0x3FB7] =	sst s0  }
0x18: {  	s0 =	sld [smem:$0x3F9A];
	_ =	swait.ge [sflag:s4], $0x0  }
0x19: {  	s7 =	sld [smem:$0x3F9B]  }
0x1a: {  	s8 =	sadd.s32 $0xFFFFE003, lr  }
0x1b: {  	s9 =	sadd.s32 $0xFFFFFEF7, lr;
	s5 =	simm.s32 $0xFFFFFFFF;
	p2 =	slt.u32 s8, $0xFFFFF086  }
0x1c: {  	p1 =	slt.u32 s9, $0xF7A;
	s5 =	simm.s32 @!p2 $0x0  }
0x1d: {  	s5 =	simm.s32 @p1 $0x1;
	p0 =	seq.s32 s7, s2  }
0x1e: {  	s7 =	smul.u32 @!p0 $0xF7A, s2;
	p2 =	seq.s32 @!p0 s5, $0x0  }
0x1f: {  	s9 =	smul.u32 $0xF7A, s1;
	s8 =	simm.s32 @!p0 $0x1BF5;
	p2 =	por !p2, p0  }
0x20: {  	[sflag:s8] =	ssyncset.s32 @!p0 $0xFFFFF086;
	s6 =	sadd.s32 @!p0 s3, s7;
	s7 =	simm.s32 @!p0 $0x108  }
0x21: {  	s3 =	sadd.s32 s3, s9;
	s6 =	sadd.s32 @!p0 $0x88, s6;
	s7 =	simm.s32 @p2 $0x1082  }
0x22: {  	[simem:s7], [sflag:s8] =	dma.local @!p0 [hbm:s6], $0xF7A  }
0x23: {  	s9 =	sor.u32 $0xD0000000, s2;
	s6 =	simm.s32 $0x108;
	_ =	swait.ge @!p0 [sflag:s8], $0x0  }
0x24: {  	s3 =	sadd.s32 $0x88, s3;
	s6 =	simm.s32 @!p1 $0x1082;
	[sflag:s4] =	ssyncset.s32 $0xFFFFF086  }
0x25: {  	[simem:s6], [sflag:s4] =	dma.local [hbm:s3], $0xF7A  }
0x26: {  	[smem:$0x3F9B] =	sst s1;
	(tag) =	ssettag s2;
	_ =	strace s9  }
0x27: {  	s1 =	sld [smem:$0x3FAB]  }
0x28: {  	s2 =	sld [smem:$0x3FAC]  }
0x29: {  	s4 =	sld [smem:$0x3FAE]  }
0x2a: {  	p0 =	seq.s32 s5, $0x0;
	s5 =	sld [smem:$0x3FAF]  }
0x2b: {  	s6 =	sld [smem:$0x3FB0]  }
0x2c: {  	s7 =	sld [smem:$0x3FB1]  }
0x2d: {  	s3 =	simm.s32 $0x108;
	s8 =	sld [smem:$0x3FB2]  }
0x2e: {  	s3 =	simm.s32 @!p0 $0x1082;
	s9 =	sld [smem:$0x3FB3]  }
0x2f: {  	lr =	sadd.s32 s0, s3;
	s0 =	sld [smem:$0x3FAA]  }
0x30: {  	s3 =	sld [smem:$0x3FAD]  }
0x31: {  	[smem:$0x3FB6] =	sst s10  }
0x32: {  	s10 =	sld [smem:$0x3FB4];
	_ =	sdelay $0x3  }
0x33: {  	p0 =	seq.s32 s10, $0x1;
	s10 =	sld [smem:$0x3FB6];
	_ =	sdelay $0x3  }
0x34: {  	[smem:$0x3FB6] =	sst s10  }
0x35: {  	s10 =	sld [smem:$0x3FB5];
	_ =	sdelay $0x3  }
0x36: {  	p1 =	seq.s32 s10, $0x1;
	s10 =	sld [smem:$0x3FB6];
	_ =	sdelay $0x3  }
0x37: {  	[smem:$0x3FB6] =	sst s10  }
0x38: {  	s10 =	sld [smem:$0x3FB7]  }
0x39: {  	_ = 	snop;
	(pc) =	sbr.ind lr, $3  }
0x3a: {  	_ = 	snop  }
0x3b: {  	_ = 	snop  }
0x3c: {  	p2 =	seq.s32 s10, $0x1;
	s10 =	sld [smem:$0x3FB6]  }
0x3d: {  	_ =	shalt  }
0x3e: {  	_ =	shalt  }
0x3f: {  	_ =	shalt  }
0x40: {  	_ =	shalt  }
0x41: {  	_ =	shalt  }
0x42: {  	_ =	shalt  }
0x43: {  	_ =	shalt  }
0x44: {  	_ =	shalt  }
0x45: {  	_ =	shalt  }
0x46: {  	_ =	shalt  }
0x47: {  	_ =	shalt  }
0x48: {  	_ =	shalt  }
0x49: {  	_ =	shalt  }
0x4a: {  	_ =	shalt  }
0x4b: {  	_ =	shalt  }
0x4c: {  	_ =	shalt  }
0x4d: {  	_ =	shalt  }
0x4e: {  	_ =	shalt  }
0x4f: {  	_ =	shalt  }
0x50: {  	_ =	shalt  }
0x51: {  	_ =	shalt  }
0x52: {  	_ =	shalt  }
0x53: {  	_ =	shalt  }
0x54: {  	_ =	shalt  }
0x55: {  	_ =	shalt  }
0x56: {  	_ =	shalt  }
0x57: {  	_ =	shalt  }
0x58: {  	_ =	shalt  }
0x59: {  	_ =	shalt  }
0x5a: {  	_ =	shalt  }
0x5b: {  	_ =	shalt  }
0x5c: {  	_ =	shalt  }
0x5d: {  	_ =	shalt  }
0x5e: {  	_ =	shalt  }
0x5f: {  	_ =	shalt  }
0x60: {  	_ =	shalt  }
0x61: {  	_ =	shalt  }
0x62: {  	_ =	shalt  }
0x63: {  	_ =	shalt  }
0x64: {  	_ =	shalt  }
0x65: {  	_ =	shalt  }
0x66: {  	_ =	shalt  }
0x67: {  	_ =	shalt  }
0x68: {  	_ =	shalt  }
0x69: {  	_ =	shalt  }
0x6a: {  	_ =	shalt  }
0x6b: {  	_ =	shalt  }
0x6c: {  	_ =	shalt  }
0x6d: {  	_ =	shalt  }
0x6e: {  	_ =	shalt  }
0x6f: {  	_ =	shalt  }
0x70: {  	_ =	shalt  }
0x71: {  	_ =	shalt  }
0x72: {  	_ =	shalt  }
0x73: {  	_ =	shalt  }
0x74: {  	_ =	shalt  }
0x75: {  	_ =	shalt  }
0x76: {  	_ =	shalt  }
0x77: {  	_ =	shalt  }
0x78: {  	_ =	shalt  }
0x79: {  	_ =	shalt  }
0x7a: {  	_ =	shalt  }
0x7b: {  	_ =	shalt  }
0x7c: {  	_ =	shalt  }
0x7d: {  	_ =	shalt  }
0x7e: {  	_ =	shalt  }
0x7f: {  	_ =	shalt  }
0x80: {  	_ =	shalt  }
0x81: {  	_ =	shalt  }
0x82: {  	_ =	shalt  }
0x83: {  	_ =	shalt  }
0x84: {  	_ =	shalt  }
0x85: {  	_ =	shalt  }
0x86: {  	_ =	shalt  }
0x87: {  	_ =	shalt  }
.Lfunc_end0:
.L_simem_size_0:
called_computation_lowered:
.L_overlay_start_0:
0x88: {  	s2 =	sld [smem:$0x3FD9]  }
0x89: {  	s3 =	sld [smem:$0x3FFE];
	_ =	sdelay $0x1  }
0x8a: {  	s1 =	srdreg.scid  }
0x8b: {  	s0 =	sand.u32 $0x1, s1  }
0x8c: {  	s15 =	sshll.u32 s0, $0xA;
	s2 =	sadd.s32 s3, s2  }
0x8d: {  	s2 =	sadd.s32 s2, s15  }
0x8e: {  	[smem:$0x3FC2] =	sst s2  }
0x8f: {  	_ = 	snop  }
0x90: {  	s2 =	sld [smem:$0x3FC9]  }
0x91: {  	s16 =	sld [smem:$0x3FD0]  }
0x92: {  	s4 =	sld [smem:$0x3FC8]  }
0x93: {  	s5 =	sld [smem:$0x3FC6]  }
0x94: {  	s7 =	simm.s32 $0xA;
	s8 =	simm.s32 $0x10;
	s6 =	sld [smem:$0x3FC5]  }
0x95: {  	[smem:s8], [sflag:s7] =	dma.local [hbm:s16], $0x1  }
0x96: {  	_ =	swait.eq [sflag:s7], $0x1  }
0x97: {  	[sflag:s7] =	ssyncset.done $0x0  }
0x98: {  	s17 =	sld [smem:$0x10];
	[sflag:s7] =	ssyncadd.s32 $0xFFFFFFFF  }
0x99: {  	s18 =	sld [smem:$0x11];
	(tm) =	ssettm $0x1  }
0x9a: {  	s19 =	sld [smem:$0x3FFB];
	_ =	sdelay $0x3  }
0x9b: {  	_ =	strace s19  }
0x9c: {  	s8 =	sld [smem:$0x3FFC];
	_ =	sdelay $0x3  }
0x9d: {  	_ =	strace s8  }
0x9e: {  	s8 =	sld [smem:$0x3FFD];
	_ =	sdelay $0x3  }
0x9f: {  	_ =	strace s8  }
0xa0: {  	_ =	strace $0x8FFFFFFF  }
0xa1: {  	s20 =	sld [smem:$0x3FDB];
	_ =	sdelay $0x1  }
0xa2: {  	s9 =	simm.s32 $_scs_section_size  }
0xa3: {  	s10 =	simm.s32 $_size__tile_overlayer_lowered;
	s11 =	simm.s32 $_tile_overlayer_lowered  }
0xa4: {  	s23 =	simm.s32 $0x1BFF;
	s22 =	sshll.u32 s11, $0x1;
	s8 =	sadd.s32 s9, s20  }
0xa5: {  	s12 =	simm.s32 $0x0;
	s21 =	sshll.u32 s10, $0x1;
	s10 =	sadd.s32 s22, s8  }
0xa6: {  	[timem:s12], [sflag:s23] =	dma.local [hbm:s10], s21  }
0xa7: {  	_ =	swait.ge [sflag:s23], s21  }
0xa8: {  	s9 =	ssub.s32 $0x0, s21;
	[sflag:s23] =	ssyncset.done $0x0  }
0xa9: {  	[sflag:s23] =	ssyncadd.s32 s9;
	_ =	sdelay $0x1  }
0xaa: {  	s24 =	simm.s32 $0x1B8B  }
0xab: {  	_ =	swait.ge [sflag:s24], $0x1  }
0xac: {  	[sflag:s24] =	ssyncset.done $0x0  }
0xad: {  	s25 =	simm.s32 $0x1B8E;
	[sflag:s24] =	ssyncadd.s32 $0xFFFFFFFF  }
0xae: {  	s26 =	simm.s32 $execute0_lowered;
	[smem:$0x3FD2] =	sst s25  }
0xaf: {  	s9 =	sshll.u32 s26, $0x1;
	_ =	strace $0x80000046;
	[dreg:$0x1] =	wrdreg $0xFFFFFFFF  }
0xb0: {  	s28 =	simm.s32 $_size_execute0_lowered;
	s8 =	sadd.s32 s8, s9;
	[dreg:$0x0] =	wrdreg $0x0  }
0xb1: {  	s9 =	sshll.u32 s28, $0x1;
	[dreg:$0x2] =	wrdreg s8  }
0xb2: {  	[dreg:$0x3] =	wrdreg s9  }
0xb3: {  	[dreg:$0x4] =	wrdreg $0xC0  }
0xb4: {  	_ =	task [dreg:s12], $0x5FFFF  }
0xb5: {  	[dreg:$0x1] =	wrdreg $0xFFFFFFFF  }
0xb6: {  	[dreg:$0x0] =	wrdreg $0x60  }
0xb7: {  	[dreg:$0x2] =	wrdreg s2  }
0xb8: {  	[dreg:$0x3] =	wrdreg s4  }
0xb9: {  	[dreg:$0x4] =	wrdreg s5  }
0xba: {  	[dreg:$0x5] =	wrdreg s6  }
0xbb: {  	[dreg:$0x6] =	wrdreg s17  }
0xbc: {  	[dreg:$0x7] =	wrdreg s18  }
0xbd: {  	[dreg:$0x8] =	wrdreg $0x30000  }
0xbe: {  	[dreg:$0x9] =	wrdreg $0x31000  }
0xbf: {  	[dreg:$0xa] =	wrdreg $0x9  }
0xc0: {  	_ =	task.clear_ibuf [dreg:s12], $0xBFFFF;
	_ =	strace $0x90000046  }
0xc1: {  	s29 =	simm.s32 $0x9;
	_ =	strace $0x80000048  }
0xc2: {  	_ =	swait.ge [sflag:s29], $0x1  }
0xc3: {  	[sflag:s29] =	ssyncadd.s32 $0xFFFFFFFF  }
0xc4: {  	_ =	strace $0x90000048  }
0xc5: {  	_ =	sfence  }
0xc6: {  	s30 =	sld [smem:$0x0];
	_ =	sdelay $0x2  }
0xc7: {  	s31 =	sshll.u32 s1, $0xD;
	s1 =	sshrl.u32 s1, $0x2  }
0xc8: {  	s3 =	sand.u32 $0x4000, s31;
	s1 =	sadd.s32 s1, s30  }
0xc9: {  	s0 =	sor.u32 s3, s0;
	s1 =	sshll.u32 s1, $0x11  }
0xca: {  	s0 =	sor.u32 s1, s0  }
0xcb: {  	s0 =	sadd.s32 $0x8F2B, s0  }
0xcc: {  	[sflag:s0] =	ssyncadd.remote.s32 $0x1  }
0xcd: {  	_ =	sfence.sel $0xFFFF  }
0xce: {  	[dreg:$0x0] =	wrdreg $0xFFFFFFFF;
	(pc) =	sbr.abs _section_cstart, $3  }
0xcf: {  	[dreg:$0x1] =	wrdreg $0xFFFFFFFF  }
0xd0: {  	_ =	task.clear_ibuf [dreg:s12], $0x2FFFF;
	_ =	strace $0x9FFFFFFF  }
0xd1: {  	(tm) =	ssettm $0x7FFFFFFF  }
tec
execute0_lowered:
.L_overlay_start_1:
0x0: {  	(tag) =	ssettag $0x1  }
0x1: {  	s0 =	rddreg [dreg:$0x0]  }
0x2: {  	s1 =	rddreg [dreg:$0x1]  }
0x3: {  	s3 =	rddreg [dreg:$0x4]  }
0x4: {  	s6 =	rddreg [dreg:$0x5]  }
0x5: {  	s2 =	rddreg [dreg:$0x6];
	s5 =	srdreg.scid  }
0x6: {  	s7 =	stileid.u32;
	s4 =	rddreg [dreg:$0x7]  }
0x7: {  	s8 =	sand.u32 $0x1, s5;
	s22 =	sshll.u32 s7, $0x1;
	s19 =	smul.u32 $0x4E200, s7  }
0x8: {  	s28 =	simm.s32 $0xB180;
	s9 =	sor.u32 s8, s22;
	s22 =	smul.u32 $0x27100, s8  }
0x9: {  	s29 =	simm.s32 $0x1;
	s30 =	simm.s32 $0x2;
	s11 =	smul.u32 $0x27, s9  }
0xa: {  	s31 =	simm.s32 $0x3;
	s5 =	simm.s32 $0x0;
	s13 =	smul.u32 $0x9C00, s9  }
0xb: {  	p0 =	sne.s32 s7, $0x0;
	s7 =	simm.s32 $0x13180;
	s23 =	smul.u32 $0x1380, s9  }
0xc: {  	s10 =	ssub.s32 $0x2, s8;
	[smem:$0x7FF] =	sst s5;
	s26 =	smul.u32 $0x2710, s9  }
0xd: {  	s8 =	simm.s32 $0x17180;
	s12 =	sshrl.u32 s10, $0x1;
	s14 =	smul.u32 $0x138800, s9  }
0xe: {  	_ =	strace $0x80000047;
	s16 =	smul.u32 $0x27100, s9;
	p1 =	sne.s32 s9, $0x1F  }
0xf: {  	s9 =	simm.s32 $0x4;
	s10 =	ssub.s32 s10, s12;
	s11 =	sadd.s32 s0, s11  }
0x10: {  	s12 =	simm.s32 $0x6;
	s0 =	sadd.s32 $0x4E0, s0;
	[dreg:$0x9] =	wrdreg s11  }
0x11: {  	s24 =	sshrl.u32 s13, $0x3;
	s18 =	sadd.s32 s6, s16;
	[dreg:$0xa] =	wrdreg s0  }
0x12: {  	s15 =	sshrl.u32 s26, $0x3;
	s11 =	sadd.s32 s3, s23;
	[dreg:$0x10] =	wrdreg s18  }
0x13: {  	s25 =	sadd.s32 s3, s24;
	s3 =	sadd.s32 $0x27000, s3;
	[dreg:$0xb] =	wrdreg s11  }
0x14: {  	s17 =	sshrl.u32 s14, $0x3;
	s13 =	sadd.s32 $0x680, s25;
	[dreg:$0xe] =	wrdreg s3  }
0x15: {  	s14 =	simm.s32 $0xC;
	s0 =	sadd.s32 $0xD00, s25;
	[dreg:$0xc] =	wrdreg s13  }
0x16: {  	s3 =	simm.s32 $0x7;
	[dreg:$0xd] =	wrdreg s0;
	s0 =	sadd.s32 s1, s15  }
0x17: {  	s11 =	simm.s32 $0xA;
	[dreg:$0xf] =	wrdreg s0;
	s0 =	sadd.s32 s6, s17  }
0x18: {  	s1 =	sadd.s32 s19, s6;
	s13 =	simm.s32 $0xB;
	s20 =	sadd.s32 $0x800, s0  }
0x19: {  	s15 =	simm.s32 $0x0;
	s21 =	sadd.s32 $0x25000, s0;
	[dreg:$0x11] =	wrdreg s20  }
0x1a: {  	s26 =	sadd.s32 s22, s1;
	s23 =	sadd.s32 $0x25800, s0;
	[dreg:$0x12] =	wrdreg s21  }
0x1b: {  	s22 =	simm.s32 $0xF;
	s24 =	sadd.s32 $0x26000, s0;
	[dreg:$0x13] =	wrdreg s23  }
0x1c: {  	s1 =	simm.s32 $0x8;
	s25 =	sadd.s32 $0x26800, s0;
	[dreg:$0x14] =	wrdreg s24  }
0x1d: {  	s6 =	simm.s32 $0xF180;
	s0 =	sadd.s32 $0x27000, s0;
	[dreg:$0x15] =	wrdreg s25  }
0x1e: {  	[dreg:$0x16] =	wrdreg s0;
	s20 =	smax.u32 s10, $0x1;
	s21 =	sadd.s32 $0x2000, s26  }
0x1f: {  	s23 =	simm.s32 $0x68;
	s24 =	simm.s32 $0x3180;
	s25 =	simm.s32 $0x7180  }
0x20: {  	s0 =	simm.s32 $0x80;
	s26 =	simm.s32 $0x9;
	s10 =	simm.s32 $0x5  }
.LBB2_1:
0x21: {  	s16 =	sshrl.u32 @!p0 s2, $0x3;
	s17 =	simm.s32 @!p0 $0x1C0F;
	s18 =	rddreg [dreg:$0x2]  }
0x22: {  	[spmem:s16], [sflag:s17] =	dma.local @!p0 [hbm:s18], $0x200  }
0x23: {  	s16 =	simm.s32 @!p0 $0xF  }
0x24: {  	_ =	swait.ge @!p0 [sflag:s16], $0x200  }
0x25: {  	[sflag:s16] =	ssyncset.done @!p0 $0x0  }
0x26: {  	[sflag:s16] =	ssyncadd.s32 @!p0 $0xFFFFFE00  }
0x27: {  	s18 =	sshrl.u32 @!p0 s4, $0x3;
	s19 =	rddreg [dreg:$0x3]  }
0x28: {  	[spmem:s18], [sflag:s17] =	dma.local @!p0 [hbm:s19], $0x100  }
0x29: {  	_ =	swait.ge @!p0 [sflag:s16], $0x100  }
0x2a: {  	[sflag:s16] =	ssyncset.done @!p0 $0x0  }
0x2b: {  	[sflag:s16] =	ssyncadd.s32 @!p0 $0xFFFFFF00  }
0x2c: {  	[bflag:$0x0] =	sbarrier.arrive $0xFFFF  }
0x2d: {  	s19 =	rddreg [dreg:$0x9]  }
0x2e: {  	[tilespmem:s5], [sflag:$0xF] =	stream.linear.gather [hbm4b:s19+s5], $0x138, $0x38;
	[tilespmem:$0x1B180] =	vst v63  }
0x2f: {  	_ =	swait.ge [sflag:s22], $0x138  }
0x30: {  	[sflag:s22] =	ssyncset.done $0x0  }
0x31: {  	[sflag:s22] =	ssyncadd.s32 $0xFFFFFEC8  }
0x32: {  	[tilespmem:s24], [sflag:$0x1] =	stream.indirect.gather [spmem:s2], $0x80, s5, s23, $0xb8;
	[tilespmem:$0x1B180] =	vst v63  }
0x33: {  	_ = 	snop  }
0x34: {  	[tilespmem:s25], [sflag:$0x2] =	stream.indirect.gather [spmem:s2], $0x80, s23, s23, $0xb8;
	[tilespmem:$0x1B180] =	vst v63  }
0x35: {  	s17 =	simm.s32 $0xD0  }
0x36: {  	[tilespmem:s28], [sflag:$0x3] =	stream.indirect.gather [spmem:s2], $0x80, s17, s23, $0xb8;
	[tilespmem:$0x1B180] =	vst v63  }
0x37: {  	s16 =	simm.s32 @!p1 $0x0;
	s18 =	rddreg [dreg:$0xa];
	s17 =	simm.s32 @!p1 $0x2780  }
0x38: {  	[tilespmem:s17], [sflag:$0xF] =	stream.linear.gather @!p1 [hbm4b:s18+s16], $0x10, $0x38;
	[tilespmem:$0x1B180] =	vst v63  }
0x39: {  	s18 =	simm.s32 @!p1 $0xF  }
0x3a: {  	_ =	swait.ge @!p1 [sflag:s18], $0x10  }
0x3b: {  	[sflag:s18] =	ssyncset.done @!p1 $0x0  }
0x3c: {  	s19 =	simm.s32 @!p1 $0x2800;
	[sflag:s18] =	ssyncadd.s32 @!p1 $0xFFFFFFF0;
	s18 =	simm.s32 @!p1 $0x10  }
0x3d: {  	[tilespmem:s19], [sflag:$0xD] =	stream.indirect.gather @!p1 [spmem:s2], $0x80, s17, s18, $0xb8;
	[tilespmem:$0x1B180] =	vst v63  }
0x3e: {  	_ =	swait.ge [sflag:s29], $0x3400  }
0x3f: {  	[sflag:s29] =	ssyncset.done $0x0  }
0x40: {  	s18 =	rddreg [dreg:$0xb];
	[sflag:s29] =	ssyncadd.s32 $0xFFFFCC00  }
0x41: {  	[hbm4b:s18+s5] =	stream.linear.scatter [tilespmem:s24], [sflag:$0x7], $0x3400, $0x38;
	[tilespmem:$0x1B180] =	vst v63  }
0x42: {  	_ =	swait.ge [sflag:s30], $0x3400  }
0x43: {  	[sflag:s30] =	ssyncset.done $0x0  }
0x44: {  	s18 =	rddreg [dreg:$0xc];
	[sflag:s30] =	ssyncadd.s32 $0xFFFFCC00  }
0x45: {  	[hbm4b:s18+s5] =	stream.linear.scatter [tilespmem:s25], [sflag:$0x8], $0x3400, $0x38;
	[tilespmem:$0x1B180] =	vst v63  }
0x46: {  	_ =	swait.ge [sflag:s31], $0x3400  }
0x47: {  	[sflag:s31] =	ssyncset.done $0x0  }
0x48: {  	s17 =	simm.s32 @!p1 $0xD;
	s18 =	rddreg [dreg:$0xd];
	[sflag:s31] =	ssyncadd.s32 $0xFFFFCC00  }
0x49: {  	[hbm4b:s18+s5] =	stream.linear.scatter [tilespmem:s28], [sflag:$0x9], $0x3400, $0x38;
	[tilespmem:$0x1B180] =	vst v63  }
0x4a: {  	_ =	swait.ge @!p1 [sflag:s17], $0x800  }
0x4b: {  	[sflag:s17] =	ssyncset.done @!p1 $0x0  }
0x4c: {  	[sflag:s17] =	ssyncadd.s32 @!p1 $0xFFFFF800;
	s17 =	rddreg [dreg:$0xe]  }
0x4d: {  	[hbm4b:s17+s16] =	stream.linear.scatter @!p1 [tilespmem:s19], [sflag:$0xE], $0x800, $0x38;
	[tilespmem:$0x1B180] =	vst v63  }
0x4e: {  	s18 =	rddreg [dreg:$0xf]  }
0x4f: {  	[tilespmem:s5], [sflag:$0xF] =	stream.linear.gather [hbm4b:s18+s5], $0x2710, $0x38;
	[tilespmem:$0x1B180] =	vst v63  }
0x50: {  	_ =	swait.ge [sflag:s22], $0x2710  }
0x51: {  	[sflag:s22] =	ssyncset.done $0x0  }
0x52: {  	[sflag:s22] =	ssyncadd.s32 $0xFFFFD8F0  }
0x53: {  	_ =	swait.ge [sflag:s3], $0x3400  }
0x54: {  	[sflag:s3] =	ssyncset.done $0x0  }
0x55: {  	[sflag:s3] =	ssyncadd.s32 $0xFFFFCC00  }
0x56: {  	[tilespmem:s24], [sflag:$0x1] =	stream.indirect.gather [spmem:s4], $0x80, s5, s0, $0xb8;
	[tilespmem:$0x1B180] =	vst v63  }
0x57: {  	_ =	swait.ge [sflag:s1], $0x3400  }
0x58: {  	[sflag:s1] =	ssyncset.done $0x0  }
0x59: {  	[sflag:s1] =	ssyncadd.s32 $0xFFFFCC00  }
0x5a: {  	[tilespmem:s25], [sflag:$0x2] =	stream.indirect.gather [spmem:s4], $0x80, s0, s0, $0xb8;
	[tilespmem:$0x1B180] =	vst v63  }
0x5b: {  	_ =	swait.ge [sflag:s26], $0x3400  }
0x5c: {  	[sflag:s26] =	ssyncset.done $0x0  }
0x5d: {  	s19 =	simm.s32 $0x100;
	[sflag:s26] =	ssyncadd.s32 $0xFFFFCC00  }
0x5e: {  	[tilespmem:s28], [sflag:$0x3] =	stream.indirect.gather [spmem:s4], $0x80, s19, s0, $0xb8;
	[tilespmem:$0x1B180] =	vst v63  }
0x5f: {  	s17 =	simm.s32 $0x180  }
0x60: {  	[tilespmem:s6], [sflag:$0x4] =	stream.indirect.gather [spmem:s4], $0x80, s17, s0, $0xb8;
	[tilespmem:$0x1B180] =	vst v63  }
0x61: {  	s18 =	simm.s32 $0x200  }
0x62: {  	[tilespmem:s7], [sflag:$0x5] =	stream.indirect.gather [spmem:s4], $0x80, s18, s0, $0xb8;
	[tilespmem:$0x1B180] =	vst v63  }
0x63: {  	_ =	swait.ge [sflag:s29], $0x4000  }
0x64: {  	[sflag:s29] =	ssyncset.done $0x0  }
0x65: {  	s19 =	rddreg [dreg:$0x10];
	[sflag:s29] =	ssyncadd.s32 $0xFFFFC000  }
0x66: {  	[hbm4b:s19+s5] =	stream.linear.scatter [tilespmem:s24], [sflag:$0x7], $0x4000, $0x38;
	[tilespmem:$0x1B180] =	vst v63  }
0x67: {  	s17 =	simm.s32 $0x280  }
0x68: {  	[tilespmem:s8], [sflag:$0x6] =	stream.indirect.gather [spmem:s4], $0x80, s17, s0, $0xb8;
	[tilespmem:$0x1B180] =	vst v63  }
0x69: {  	_ =	swait.ge [sflag:s30], $0x4000  }
0x6a: {  	[sflag:s30] =	ssyncset.done $0x0  }
0x6b: {  	s18 =	rddreg [dreg:$0x11];
	[sflag:s30] =	ssyncadd.s32 $0xFFFFC000  }
0x6c: {  	[hbm4b:s18+s5] =	stream.linear.scatter [tilespmem:s25], [sflag:$0x8], $0x4000, $0x38;
	[tilespmem:$0x1B180] =	vst v63  }
0x6d: {  	_ =	swait.ge [sflag:s3], $0x4000  }
0x6e: {  	[sflag:s3] =	ssyncset.done $0x0  }
0x6f: {  	s19 =	simm.s32 $0x300;
	[sflag:s3] =	ssyncadd.s32 $0xFFFFC000  }
0x70: {  	[tilespmem:s24], [sflag:$0x1] =	stream.indirect.gather [spmem:s4], $0x80, s19, s0, $0xb8;
	[tilespmem:$0x1B180] =	vst v63  }
0x71: {  	_ =	swait.ge [sflag:s31], $0x4000  }
0x72: {  	[sflag:s31] =	ssyncset.done $0x0  }
0x73: {  	s17 =	sadd.s32 $0xFFFFF000, s21;
	[sflag:s31] =	ssyncadd.s32 $0xFFFFC000  }
0x74: {  	[hbm4b:s17+s5] =	stream.linear.scatter [tilespmem:s28], [sflag:$0x9], $0x4000, $0x38;
	[tilespmem:$0x1B180] =	vst v63  }
0x75: {  	_ =	swait.ge [sflag:s1], $0x4000  }
0x76: {  	[sflag:s1] =	ssyncset.done $0x0  }
0x77: {  	s18 =	simm.s32 $0x380;
	[sflag:s1] =	ssyncadd.s32 $0xFFFFC000  }
0x78: {  	[tilespmem:s25], [sflag:$0x2] =	stream.indirect.gather [spmem:s4], $0x80, s18, s0, $0xb8;
	[tilespmem:$0x1B180] =	vst v63  }
0x79: {  	_ =	swait.ge [sflag:s9], $0x4000  }
0x7a: {  	[sflag:s9] =	ssyncset.done $0x0  }
0x7b: {  	s19 =	sadd.s32 $0xFFFFF800, s21;
	[sflag:s9] =	ssyncadd.s32 $0xFFFFC000  }
0x7c: {  	[hbm4b:s19+s5] =	stream.linear.scatter [tilespmem:s6], [sflag:$0xA], $0x4000, $0x38;
	[tilespmem:$0x1B180] =	vst v63  }
0x7d: {  	_ =	swait.ge [sflag:s26], $0x4000  }
0x7e: {  	[sflag:s26] =	ssyncset.done $0x0  }
0x7f: {  	s17 =	simm.s32 $0x400;
	[sflag:s26] =	ssyncadd.s32 $0xFFFFC000  }
0x80: {  	[tilespmem:s28], [sflag:$0x3] =	stream.indirect.gather [spmem:s4], $0x80, s17, s0, $0xb8;
	[tilespmem:$0x1B180] =	vst v63  }
0x81: {  	_ =	swait.ge [sflag:s10], $0x4000  }
0x82: {  	[sflag:s10] =	ssyncset.done $0x0  }
0x83: {  	[sflag:s10] =	ssyncadd.s32 $0xFFFFC000  }
0x84: {  	[hbm4b:s21+s5] =	stream.linear.scatter [tilespmem:s7], [sflag:$0xB], $0x4000, $0x38;
	[tilespmem:$0x1B180] =	vst v63  }
0x85: {  	_ =	swait.ge [sflag:s11], $0x4000  }
0x86: {  	[sflag:s11] =	ssyncset.done $0x0  }
0x87: {  	s18 =	simm.s32 $0x480;
	[sflag:s11] =	ssyncadd.s32 $0xFFFFC000  }
0x88: {  	[tilespmem:s6], [sflag:$0x4] =	stream.indirect.gather [spmem:s4], $0x80, s18, s0, $0xb8;
	[tilespmem:$0x1B180] =	vst v63  }
0x89: {  	_ =	swait.ge [sflag:s12], $0x4000  }
0x8a: {  	[sflag:s12] =	ssyncset.done $0x0  }
0x8b: {  	s19 =	sadd.s32 $0x800, s21;
	[sflag:s12] =	ssyncadd.s32 $0xFFFFC000  }
0x8c: {  	[hbm4b:s19+s5] =	stream.linear.scatter [tilespmem:s8], [sflag:$0xC], $0x4000, $0x38;
	[tilespmem:$0x1B180] =	vst v63  }
0x8d: {  	_ =	swait.ge [sflag:s13], $0x4000  }
0x8e: {  	[sflag:s13] =	ssyncset.done $0x0  }
0x8f: {  	s17 =	simm.s32 $0x500;
	[sflag:s13] =	ssyncadd.s32 $0xFFFFC000  }
0x90: {  	[tilespmem:s7], [sflag:$0x5] =	stream.indirect.gather [spmem:s4], $0x80, s17, s0, $0xb8;
	[tilespmem:$0x1B180] =	vst v63  }
0x91: {  	_ =	swait.ge [sflag:s29], $0x4000  }
0x92: {  	[sflag:s29] =	ssyncset.done $0x0  }
0x93: {  	s18 =	sadd.s32 $0x1000, s21;
	[sflag:s29] =	ssyncadd.s32 $0xFFFFC000  }
0x94: {  	[hbm4b:s18+s5] =	stream.linear.scatter [tilespmem:s24], [sflag:$0x7], $0x4000, $0x38;
	[tilespmem:$0x1B180] =	vst v63  }
0x95: {  	_ =	swait.ge [sflag:s14], $0x4000  }
0x96: {  	[sflag:s14] =	ssyncset.done $0x0  }
0x97: {  	s19 =	simm.s32 $0x580;
	[sflag:s14] =	ssyncadd.s32 $0xFFFFC000  }
0x98: {  	[tilespmem:s8], [sflag:$0x6] =	stream.indirect.gather [spmem:s4], $0x80, s19, s0, $0xb8;
	[tilespmem:$0x1B180] =	vst v63  }
0x99: {  	_ =	swait.ge [sflag:s30], $0x4000  }
0x9a: {  	s16 =	simm.s32 $0xC00;
	[sflag:s30] =	ssyncset.done $0x0  }
0x9b: {  	s17 =	sadd.s32 $0x3000, s21;
	s18 =	sadd.s32 $0x1800, s21;
	[sflag:s30] =	ssyncadd.s32 $0xFFFFC000  }
.LBB2_2:
0x9c: {  	[hbm4b:s18+s5] =	stream.linear.scatter [tilespmem:s25], [sflag:$0x8], $0x4000, $0x38;
	[tilespmem:$0x1B180] =	vst v63  }
0x9d: {  	s18 =	smov.u32 s16  }
0x9e: {  	p2 =	sne.s32 s16, $0x8400;
	s16 =	sadd.s32 $0xC00, s16;
	_ =	swait.ge [sflag:s3], $0x4000  }
0x9f: {  	s18 =	sshra.s32 s18, $0x2;
	[sflag:s3] =	ssyncset.done $0x0  }
0xa0: {  	s19 =	sadd.s32 $0x300, s18;
	[sflag:s3] =	ssyncadd.s32 $0xFFFFC000  }
0xa1: {  	[tilespmem:s24], [sflag:$0x1] =	stream.indirect.gather [spmem:s4], $0x80, s19, s0, $0xb8;
	[tilespmem:$0x1B180] =	vst v63  }
0xa2: {  	_ =	swait.ge [sflag:s31], $0x4000  }
0xa3: {  	[sflag:s31] =	ssyncset.done $0x0  }
0xa4: {  	s19 =	sadd.s32 $0xFFFFF000, s17;
	[sflag:s31] =	ssyncadd.s32 $0xFFFFC000  }
0xa5: {  	[hbm4b:s19+s5] =	stream.linear.scatter [tilespmem:s28], [sflag:$0x9], $0x4000, $0x38;
	[tilespmem:$0x1B180] =	vst v63  }
0xa6: {  	_ =	swait.ge [sflag:s1], $0x4000  }
0xa7: {  	[sflag:s1] =	ssyncset.done $0x0  }
0xa8: {  	s19 =	sadd.s32 $0x380, s18;
	[sflag:s1] =	ssyncadd.s32 $0xFFFFC000  }
0xa9: {  	[tilespmem:s25], [sflag:$0x2] =	stream.indirect.gather [spmem:s4], $0x80, s19, s0, $0xb8;
	[tilespmem:$0x1B180] =	vst v63  }
0xaa: {  	_ =	swait.ge [sflag:s9], $0x4000  }
0xab: {  	[sflag:s9] =	ssyncset.done $0x0  }
0xac: {  	s19 =	sadd.s32 $0xFFFFF800, s17;
	[sflag:s9] =	ssyncadd.s32 $0xFFFFC000  }
0xad: {  	[hbm4b:s19+s5] =	stream.linear.scatter [tilespmem:s6], [sflag:$0xA], $0x4000, $0x38;
	[tilespmem:$0x1B180] =	vst v63  }
0xae: {  	_ =	swait.ge [sflag:s26], $0x4000  }
0xaf: {  	[sflag:s26] =	ssyncset.done $0x0  }
0xb0: {  	s19 =	sadd.s32 $0x400, s18;
	[sflag:s26] =	ssyncadd.s32 $0xFFFFC000  }
0xb1: {  	[tilespmem:s28], [sflag:$0x3] =	stream.indirect.gather [spmem:s4], $0x80, s19, s0, $0xb8;
	[tilespmem:$0x1B180] =	vst v63  }
0xb2: {  	_ =	swait.ge [sflag:s10], $0x4000  }
0xb3: {  	[sflag:s10] =	ssyncset.done $0x0  }
0xb4: {  	[sflag:s10] =	ssyncadd.s32 $0xFFFFC000  }
0xb5: {  	[hbm4b:s17+s5] =	stream.linear.scatter [tilespmem:s7], [sflag:$0xB], $0x4000, $0x38;
	[tilespmem:$0x1B180] =	vst v63  }
0xb6: {  	_ =	swait.ge [sflag:s11], $0x4000  }
0xb7: {  	[sflag:s11] =	ssyncset.done $0x0  }
0xb8: {  	s19 =	sadd.s32 $0x480, s18;
	[sflag:s11] =	ssyncadd.s32 $0xFFFFC000  }
0xb9: {  	[tilespmem:s6], [sflag:$0x4] =	stream.indirect.gather [spmem:s4], $0x80, s19, s0, $0xb8;
	[tilespmem:$0x1B180] =	vst v63  }
0xba: {  	_ =	swait.ge [sflag:s12], $0x4000  }
0xbb: {  	[sflag:s12] =	ssyncset.done $0x0  }
0xbc: {  	s19 =	sadd.s32 $0x800, s17;
	[sflag:s12] =	ssyncadd.s32 $0xFFFFC000  }
0xbd: {  	[hbm4b:s19+s5] =	stream.linear.scatter [tilespmem:s8], [sflag:$0xC], $0x4000, $0x38;
	[tilespmem:$0x1B180] =	vst v63  }
0xbe: {  	_ =	swait.ge [sflag:s13], $0x4000  }
0xbf: {  	[sflag:s13] =	ssyncset.done $0x0  }
0xc0: {  	s19 =	sadd.s32 $0x500, s18;
	[sflag:s13] =	ssyncadd.s32 $0xFFFFC000  }
0xc1: {  	[tilespmem:s7], [sflag:$0x5] =	stream.indirect.gather [spmem:s4], $0x80, s19, s0, $0xb8;
	[tilespmem:$0x1B180] =	vst v63  }
0xc2: {  	_ =	swait.ge [sflag:s29], $0x4000  }
0xc3: {  	[sflag:s29] =	ssyncset.done $0x0  }
0xc4: {  	s19 =	sadd.s32 $0x1000, s17;
	[sflag:s29] =	ssyncadd.s32 $0xFFFFC000  }
0xc5: {  	[hbm4b:s19+s5] =	stream.linear.scatter [tilespmem:s24], [sflag:$0x7], $0x4000, $0x38;
	[tilespmem:$0x1B180] =	vst v63  }
0xc6: {  	_ =	swait.ge [sflag:s14], $0x4000  }
0xc7: {  	[sflag:s14] =	ssyncset.done $0x0  }
.Ltmp0:
0xc8: {  	s18 =	sadd.s32 $0x580, s18;
	[sflag:s14] =	ssyncadd.s32 $0xFFFFC000;
	(pc) =	sbr.rel @p2 .LBB2_2-.Ltmp0, $4  }
0xc9: {  	[tilespmem:s8], [sflag:$0x6] =	stream.indirect.gather [spmem:s4], $0x80, s18, s0, $0xb8;
	[tilespmem:$0x1B180] =	vst v63  }
0xca: {  	_ =	swait.ge [sflag:s30], $0x4000  }
0xcb: {  	[sflag:s30] =	ssyncset.done $0x0  }
0xcc: {  	s18 =	sadd.s32 $0x1800, s17;
	s17 =	sadd.s32 $0x3000, s17;
	[sflag:s30] =	ssyncadd.s32 $0xFFFFC000  }
0xcd: {  	[hbm4b:s18+s5] =	stream.linear.scatter [tilespmem:s25], [sflag:$0x8], $0x4000, $0x38;
	[tilespmem:$0x1B180] =	vst v63  }
0xce: {  	_ =	swait.ge [sflag:s3], $0x4000  }
0xcf: {  	[sflag:s3] =	ssyncset.done $0x0  }
0xd0: {  	s16 =	simm.s32 $0x10;
	s17 =	simm.s32 $0x2700;
	[sflag:s3] =	ssyncadd.s32 $0xFFFFC000  }
0xd1: {  	[tilespmem:s24], [sflag:$0x1] =	stream.indirect.gather [spmem:s4], $0x80, s17, s16, $0xb8;
	[tilespmem:$0x1B180] =	vst v63  }
0xd2: {  	_ =	swait.ge [sflag:s31], $0x4000  }
0xd3: {  	[sflag:s31] =	ssyncset.done $0x0  }
0xd4: {  	s18 =	rddreg [dreg:$0x12];
	[sflag:s31] =	ssyncadd.s32 $0xFFFFC000  }
0xd5: {  	[hbm4b:s18+s5] =	stream.linear.scatter [tilespmem:s28], [sflag:$0x9], $0x4000, $0x38;
	[tilespmem:$0x1B180] =	vst v63  }
0xd6: {  	_ =	swait.ge [sflag:s9], $0x4000  }
0xd7: {  	[sflag:s9] =	ssyncset.done $0x0  }
0xd8: {  	s19 =	rddreg [dreg:$0x13];
	[sflag:s9] =	ssyncadd.s32 $0xFFFFC000  }
0xd9: {  	[hbm4b:s19+s5] =	stream.linear.scatter [tilespmem:s6], [sflag:$0xA], $0x4000, $0x38;
	[tilespmem:$0x1B180] =	vst v63  }
0xda: {  	_ =	swait.ge [sflag:s10], $0x4000  }
0xdb: {  	[sflag:s10] =	ssyncset.done $0x0  }
0xdc: {  	s17 =	rddreg [dreg:$0x14];
	[sflag:s10] =	ssyncadd.s32 $0xFFFFC000  }
0xdd: {  	[hbm4b:s17+s5] =	stream.linear.scatter [tilespmem:s7], [sflag:$0xB], $0x4000, $0x38;
	[tilespmem:$0x1B180] =	vst v63  }
0xde: {  	_ =	swait.ge [sflag:s12], $0x4000  }
0xdf: {  	[sflag:s12] =	ssyncset.done $0x0  }
0xe0: {  	s18 =	rddreg [dreg:$0x15];
	[sflag:s12] =	ssyncadd.s32 $0xFFFFC000  }
0xe1: {  	[hbm4b:s18+s5] =	stream.linear.scatter [tilespmem:s8], [sflag:$0xC], $0x4000, $0x38;
	[tilespmem:$0x1B180] =	vst v63  }
0xe2: {  	_ =	swait.ge [sflag:s29], $0x800  }
0xe3: {  	[sflag:s29] =	ssyncset.done $0x0  }
0xe4: {  	s19 =	rddreg [dreg:$0x16];
	[sflag:s29] =	ssyncadd.s32 $0xFFFFF800  }
0xe5: {  	[hbm4b:s19+s5] =	stream.linear.scatter [tilespmem:s24], [sflag:$0x7], $0x800, $0x38;
	[tilespmem:$0x1B180] =	vst v63  }
0xe6: {  	_ =	swait.ge [sflag:s1], $0x4000  }
0xe7: {  	[sflag:s1] =	ssyncset.done $0x0  }
0xe8: {  	[sflag:s1] =	ssyncadd.s32 $0xFFFFC000  }
0xe9: {  	_ =	swait.ge [sflag:s26], $0x4000  }
0xea: {  	[sflag:s26] =	ssyncset.done $0x0  }
0xeb: {  	[sflag:s26] =	ssyncadd.s32 $0xFFFFC000  }
0xec: {  	_ =	swait.ge [sflag:s11], $0x4000  }
0xed: {  	[sflag:s11] =	ssyncset.done $0x0  }
0xee: {  	[sflag:s11] =	ssyncadd.s32 $0xFFFFC000  }
0xef: {  	_ =	swait.ge [sflag:s13], $0x4000  }
0xf0: {  	[sflag:s13] =	ssyncset.done $0x0  }
0xf1: {  	[sflag:s13] =	ssyncadd.s32 $0xFFFFC000  }
0xf2: {  	_ =	swait.ge [sflag:s14], $0x4000  }
0xf3: {  	[sflag:s14] =	ssyncset.done $0x0  }
0xf4: {  	s15 =	sadd.s32 $0x1, s15;
	[sflag:s14] =	ssyncadd.s32 $0xFFFFC000  }
0xf5: {  	p2 =	sne.s32 s15, s20;
	_ =	swait.ge [sflag:s3], $0x800  }
.Ltmp1:
0xf6: {  	[sflag:s3] =	ssyncset.done $0x0;
	(pc) =	sbr.rel @p2 .LBB2_1-.Ltmp1, $4  }
0xf7: {  	s16 =	simm.s32 @!p1 $0xE;
	[sflag:s3] =	ssyncadd.s32 $0xFFFFF800  }
0xf8: {  	_ =	swait.ge @!p1 [sflag:s16], $0x800  }
0xf9: {  	[sflag:s16] =	ssyncset.done @!p1 $0x0  }
0xfa: {  	[sflag:s16] =	ssyncadd.s32 @!p1 $0xFFFFF800  }
0xfb: {  	_ =	sfence.sel $0x180000  }
0xfc: {  	[bflag:$0x0] =	sbarrier.arrive $0xFFFF  }
0xfd: {  	_ =	strace $0x90000047  }
0xfe: {  	[bflag:$0x2] =	sbarrier.arrive $0xFFFF  }
0xff: {  	s0 =	rddreg [dreg:$0x8]  }
0x100: {  	s0 =	sadd.s32 @!p0 $0x100000, s0  }
0x101: {  	[sflag:s0] =	ssyncadd.tile.s32 @!p0 $0x1;
	_ =	shalt  }
.Lfunc_end2:
_tile_overlayer_lowered:
.L_overlay_start_2:
0x102: {  	(tag) =	ssettag $0x2  }
0x103: {  	s0 =	rddreg [dreg:$0x0];
	s2 =	stileid.u32  }
0x104: {  	s1 =	rddreg [dreg:$0x1];
	p0 =	sne.s32 s2, $0x0  }
0x105: {  	s3 =	rddreg [dreg:$0x2];
	[bflag:$0x3] =	sbarrier.arrive $0xFFFF;
	s2 =	simm.s32 @!p0 $0x1C0F  }
0x106: {  	[timem:s3], [sflag:s2] =	dma.local @!p0 [hbm:s0], s1  }
0x107: {  	s0 =	simm.s32 @!p0 $0xF  }
0x108: {  	_ =	swait.ge @!p0 [sflag:s0], s1  }
0x109: {  	s1 =	ssub.s32 @!p0 $0x0, s1;
	[sflag:s0] =	ssyncset.done @!p0 $0x0  }
0x10a: {  	[sflag:s0] =	ssyncadd.s32 @!p0 s1  }
0x10b: {  	[bflag:$0x3] =	sbarrier.arrive $0xFFFF  }
0x10c: {  	_ =	shalt  }

</sc_bundles>
